<compile_context>
chip_gen: v7x
topology: tpu7x:2x2x1
jax: 0.10.2.dev20260603
libtpu: 0.0.44.dev20260713+nightly
codegen_flags: <defaults>
</compile_context>

<pallas_src>
import jax
import jax.numpy as jnp
from jax import lax
from jax.experimental import pallas as pl
from jax.experimental.pallas import tpu as pltpu
from jax.experimental.pallas import tpu_sc as plsc

B = 4096
S = 200
D = 128
L = 16
NC = 2
NS = 16
NW = NC * NS
BPW = B // NW
ND = D // L
S0 = 128
S1 = S - S0
_NFULL = S // L
_TAIL = S - L
_TAIL_NEW = _NFULL * L - _TAIL


def _encoder_body(ids_hbm, table_hbm, out_hbm, idx_v, rows_v, out_v, sem0, sem1):
    wid = lax.axis_index("s") * NC + lax.axis_index("c")
    base = wid * BPW
    pltpu.sync_copy(ids_hbm.at[pl.ds(base, BPW), :], idx_v)

    sems = (sem0, sem1)

    _SPLITS = ((0, 64), (64, 64), (128, 64), (192, 8))

    def start_gather(b, k):
        for off, n in _SPLITS:
            pltpu.async_copy(table_hbm.at[idx_v.at[b, pl.ds(off, n)]],
                             rows_v.at[k, pl.ds(off, n)], sems[k])

    def wait_gather(b, k):
        for off, n in _SPLITS:
            pltpu.make_async_copy(table_hbm.at[idx_v.at[b, pl.ds(off, n)]],
                                  rows_v.at[k, pl.ds(off, n)], sems[k]).wait()

    def seq_len_splat(b):
        cnt = jnp.zeros((L,), jnp.int32)
        for c in range(_NFULL):
            v = idx_v[b, pl.ds(c * L, L)]
            cnt = cnt + plsc.all_reduce_population_count(v != 0)
        v = idx_v[b, pl.ds(_TAIL, L)]
        fresh = (v != 0) & (lax.iota(jnp.int32, L) >= _TAIL_NEW)
        cnt = cnt + plsc.all_reduce_population_count(fresh)
        return cnt

    def compute(b, k):
        len_vec = seq_len_splat(b)
        fzero = jnp.zeros((L,), jnp.float32)
        acc0 = (fzero,) * ND

        def add_body(s, acc):
            m = jnp.full((L,), s, jnp.int32) < len_vec
            return tuple(acc[d] + jnp.where(m, rows_v[k, s, pl.ds(d * L, L)],
                                            fzero)
                         for d in range(ND))

        acc = lax.fori_loop(0, S, add_body, acc0)
        inv_v = 1.0 / len_vec.astype(jnp.float32)
        for d in range(ND):
            out_v[b, pl.ds(d * L, L)] = acc[d] * inv_v

    start_gather(0, 0)

    def outer(i, carry):
        for j in range(2):
            b = i * 2 + j

            @pl.when(b + 1 < BPW)
            def _():
                start_gather(b + 1, (j + 1) % 2)

            wait_gather(b, j)
            compute(b, j)
        return carry

    lax.fori_loop(0, BPW // 2, outer, 0)
    pltpu.sync_copy(out_v, out_hbm.at[pl.ds(base, BPW), :])


def kernel(input_ids, table):
    ids = input_ids.astype(jnp.int32)
    table = table.astype(jnp.float32)
    mesh = plsc.VectorSubcoreMesh(core_axis_name="c", subcore_axis_name="s")
    f = pl.kernel(
        _encoder_body,
        out_type=jax.ShapeDtypeStruct((B, D), jnp.float32),
        mesh=mesh,
        compiler_params=pltpu.CompilerParams(needs_layout_passes=False),
        scratch_types=[
            pltpu.VMEM((BPW, S), jnp.int32),
            pltpu.VMEM((2, S, D), jnp.float32),
            pltpu.VMEM((BPW, D), jnp.float32),
            pltpu.SemaphoreType.DMA,
            pltpu.SemaphoreType.DMA,
        ],
    )
    return f(ids, table)

# --- scband reference (transcript-rebuilt; emitter-appended) ---
"""Pipeline reference for scband-transformer-embedding-encoder-40458591929297 (READ-ONLY COPY).

The authoritative reference and input builder live on the scoring server;
editing this copy changes nothing except your own understanding.
"""

import jax, jax.numpy as jnp
import numpy as np

VOCAB = 100000
EMB_DIM = 128
BATCH = 4096
SEQ = 200

def setup_inputs(seed: int = 0) -> dict:
    key = jax.random.key(seed)
    k1, k2 = jax.random.split(key)
    input_ids = jax.random.randint(k1, (BATCH, SEQ), 0, VOCAB, dtype=jnp.int64 if jax.config.jax_enable_x64 else jnp.int32)
    table = jax.random.normal(k2, (VOCAB, EMB_DIM), dtype=jnp.float32) * 0.02
    return {"input_ids": input_ids, "table": table}

def reference(input_ids, table):
    # lengths: count of non-padding (non-zero) tokens per sequence
    lengths = jnp.sum(input_ids != 0, axis=1)
    # embedding lookup (gather)
    sequences_emb = jnp.take(table, input_ids, axis=0)  # [B, S, D]
    max_len = sequences_emb.shape[1]
    mask = jnp.arange(max_len)[None, :] < lengths[:, None]  # [B, S]
    mask = mask[:, :, None].astype(sequences_emb.dtype)  # [B, S, 1] broadcast over D
    rep = jnp.sum(mask * sequences_emb, axis=1) / lengths[:, None].astype(sequences_emb.dtype)
    return rep

if __name__ == "__main__":
    import jax
    _d = setup_inputs()
    print(jax.jit(kernel)(*tuple(_d.values())))

</pallas_src>

<mosaic_0001>
#map = affine_map<(d0, d1) -> (0, 0)>
module attributes {stable_mosaic.version = 14 : i64} {
  func.func @_encoder_body(%arg0: i32, %arg1: i32, %arg2: memref<4096x200xi32, #tpu.memory_space<hbm>>, %arg3: memref<100000x128xf32, #tpu.memory_space<hbm>>, %arg4: memref<4096x128xf32, #tpu.memory_space<hbm>>, %arg5: memref<128x200xi32, #tpu.memory_space<vmem>>, %arg6: memref<2x200x128xf32, #tpu.memory_space<vmem>>, %arg7: memref<128x128xf32, #tpu.memory_space<vmem>>, %arg8: memref<!tpu.dma_semaphore, #tpu.memory_space<semaphore_mem>>, %arg9: memref<!tpu.dma_semaphore, #tpu.memory_space<semaphore_mem>>) attributes {dimension_semantics = [#tpu.dimension_semantics<core_parallel>, #tpu.dimension_semantics<subcore_parallel>], iteration_bounds = array<i64: 2, 16>, scalar_prefetch = 0 : i64, scratch_operands = 5 : i64, tpu.core_type = #tpu.core_type<sc_vector_subcore>, window_params = [{transform_indices = #map}, {transform_indices = #map}, {transform_indices = #map}]} {
    %mul3A = arith.constant 2 : i32
    %mul3A_0 = arith.muli %arg1, %mul3A : i32
    %add3A = arith.addi %mul3A_0, %arg0 : i32
    %mul3A_1 = arith.constant 128 : i32
    %mul3A_2 = arith.muli %add3A, %mul3A_1 : i32
    "tpu.region"() ({
      %run_scoped3A = tpu.sem_alloc : memref<!tpu.dma_semaphore, #tpu.memory_space<semaphore_mem>>
      %dma_start3A_55 = arith.constant 0 : i32
      %dma_start3A_56 = tpu.memref_slice %arg2[%mul3A_2, %dma_start3A_55] : memref<4096x200xi32, #tpu.memory_space<hbm>> -> memref<128x200xi32, #tpu.memory_space<hbm>>
      %dma_start3A_57 = arith.constant 0 : i32
      %dma_start3A_58 = tpu.memref_slice %arg2[%mul3A_2, %dma_start3A_57] : memref<4096x200xi32, #tpu.memory_space<hbm>> -> memref<128x200xi32, #tpu.memory_space<hbm>>
      tpu.enqueue_dma source(%dma_start3A_58 : memref<128x200xi32, #tpu.memory_space<hbm>>) target(%arg5 : memref<128x200xi32, #tpu.memory_space<vmem>>) target_semaphore(%run_scoped3A : memref<!tpu.dma_semaphore, #tpu.memory_space<semaphore_mem>>)
      %dma_wait3A = arith.constant 0 : i32
      %dma_wait3A_59 = tpu.memref_slice %arg2[%mul3A_2, %dma_wait3A] : memref<4096x200xi32, #tpu.memory_space<hbm>> -> memref<128x200xi32, #tpu.memory_space<hbm>>
      %dma_wait3A_60 = arith.constant 0 : i32
      %dma_wait3A_61 = tpu.memref_slice %arg2[%mul3A_2, %dma_wait3A_60] : memref<4096x200xi32, #tpu.memory_space<hbm>> -> memref<128x200xi32, #tpu.memory_space<hbm>>
      tpu.wait_dma2 semaphore(%run_scoped3A : memref<!tpu.dma_semaphore, #tpu.memory_space<semaphore_mem>>) src(%dma_wait3A_61 : memref<128x200xi32, #tpu.memory_space<hbm>>) dst(%arg5 : memref<128x200xi32, #tpu.memory_space<vmem>>)
      tpu.yield
    }) : () -> ()
    %dma_start3A = arith.constant 0 : i32
    %dma_start3A_3 = arith.constant 0 : i32
    %dma_start3A_4 = arith.constant 0 : i32
    %dma_start3A_5 = arith.constant 0 : i32
    %dma_start3A_6 = tpu.memref_slice %arg6[%dma_start3A_3, %dma_start3A_4, %dma_start3A_5] : memref<2x200x128xf32, #tpu.memory_space<vmem>> -> memref<1x64x128xf32, #tpu.memory_space<vmem>>
    %dma_start3A_7 = tpu.memref_squeeze %dma_start3A_6 : memref<1x64x128xf32, #tpu.memory_space<vmem>> -> memref<64x128xf32, #tpu.memory_space<vmem>>
    %dma_start3A_8 = arith.constant 0 : i32
    %dma_start3A_9 = tpu.memref_slice %arg5[%dma_start3A, %dma_start3A_8] : memref<128x200xi32, #tpu.memory_space<vmem>> -> memref<1x64xi32, #tpu.memory_space<vmem>>
    %dma_start3A_10 = tpu.memref_squeeze %dma_start3A_9 : memref<1x64xi32, #tpu.memory_space<vmem>> -> memref<64xi32, #tpu.memory_space<vmem>>
    %dma_start3A_11 = arith.constant 0 : i32
    %dma_start3A_12 = arith.constant 0 : i32
    %dma_start3A_13 = tpu.memref_slice %arg3[%dma_start3A_11, %dma_start3A_12] : memref<100000x128xf32, #tpu.memory_space<hbm>> -> memref<100000x128xf32, #tpu.memory_space<hbm>>
    tpu.enqueue_indirect_dma source(%dma_start3A_13 : memref<100000x128xf32, #tpu.memory_space<hbm>>) target(%dma_start3A_7 : memref<64x128xf32, #tpu.memory_space<vmem>>) offsets(%dma_start3A_10 : memref<64xi32, #tpu.memory_space<vmem>>) semaphore(%arg8 : memref<!tpu.dma_semaphore, #tpu.memory_space<semaphore_mem>>)
    %dma_start3A_14 = arith.constant 0 : i32
    %dma_start3A_15 = arith.constant 0 : i32
    %dma_start3A_16 = arith.constant 64 : i32
    %dma_start3A_17 = arith.constant 0 : i32
    %dma_start3A_18 = tpu.memref_slice %arg6[%dma_start3A_15, %dma_start3A_16, %dma_start3A_17] : memref<2x200x128xf32, #tpu.memory_space<vmem>> -> memref<1x64x128xf32, #tpu.memory_space<vmem>>
    %dma_start3A_19 = tpu.memref_squeeze %dma_start3A_18 : memref<1x64x128xf32, #tpu.memory_space<vmem>> -> memref<64x128xf32, #tpu.memory_space<vmem>>
    %dma_start3A_20 = arith.constant 64 : i32
    %dma_start3A_21 = tpu.memref_slice %arg5[%dma_start3A_14, %dma_start3A_20] : memref<128x200xi32, #tpu.memory_space<vmem>> -> memref<1x64xi32, #tpu.memory_space<vmem>>
    %dma_start3A_22 = tpu.memref_squeeze %dma_start3A_21 : memref<1x64xi32, #tpu.memory_space<vmem>> -> memref<64xi32, #tpu.memory_space<vmem>>
    %dma_start3A_23 = arith.constant 0 : i32
    %dma_start3A_24 = arith.constant 0 : i32
    %dma_start3A_25 = tpu.memref_slice %arg3[%dma_start3A_23, %dma_start3A_24] : memref<100000x128xf32, #tpu.memory_space<hbm>> -> memref<100000x128xf32, #tpu.memory_space<hbm>>
    tpu.enqueue_indirect_dma source(%dma_start3A_25 : memref<100000x128xf32, #tpu.memory_space<hbm>>) target(%dma_start3A_19 : memref<64x128xf32, #tpu.memory_space<vmem>>) offsets(%dma_start3A_22 : memref<64xi32, #tpu.memory_space<vmem>>) semaphore(%arg8 : memref<!tpu.dma_semaphore, #tpu.memory_space<semaphore_mem>>)
    %dma_start3A_26 = arith.constant 0 : i32
    %dma_start3A_27 = arith.constant 0 : i32
    %dma_start3A_28 = arith.constant 128 : i32
    %dma_start3A_29 = arith.constant 0 : i32
    %dma_start3A_30 = tpu.memref_slice %arg6[%dma_start3A_27, %dma_start3A_28, %dma_start3A_29] : memref<2x200x128xf32, #tpu.memory_space<vmem>> -> memref<1x64x128xf32, #tpu.memory_space<vmem>>
    %dma_start3A_31 = tpu.memref_squeeze %dma_start3A_30 : memref<1x64x128xf32, #tpu.memory_space<vmem>> -> memref<64x128xf32, #tpu.memory_space<vmem>>
    %dma_start3A_32 = arith.constant 128 : i32
    %dma_start3A_33 = tpu.memref_slice %arg5[%dma_start3A_26, %dma_start3A_32] : memref<128x200xi32, #tpu.memory_space<vmem>> -> memref<1x64xi32, #tpu.memory_space<vmem>>
    %dma_start3A_34 = tpu.memref_squeeze %dma_start3A_33 : memref<1x64xi32, #tpu.memory_space<vmem>> -> memref<64xi32, #tpu.memory_space<vmem>>
    %dma_start3A_35 = arith.constant 0 : i32
    %dma_start3A_36 = arith.constant 0 : i32
    %dma_start3A_37 = tpu.memref_slice %arg3[%dma_start3A_35, %dma_start3A_36] : memref<100000x128xf32, #tpu.memory_space<hbm>> -> memref<100000x128xf32, #tpu.memory_space<hbm>>
    tpu.enqueue_indirect_dma source(%dma_start3A_37 : memref<100000x128xf32, #tpu.memory_space<hbm>>) target(%dma_start3A_31 : memref<64x128xf32, #tpu.memory_space<vmem>>) offsets(%dma_start3A_34 : memref<64xi32, #tpu.memory_space<vmem>>) semaphore(%arg8 : memref<!tpu.dma_semaphore, #tpu.memory_space<semaphore_mem>>)
    %dma_start3A_38 = arith.constant 0 : i32
    %dma_start3A_39 = arith.constant 0 : i32
    %dma_start3A_40 = arith.constant 192 : i32
    %dma_start3A_41 = arith.constant 0 : i32
    %dma_start3A_42 = tpu.memref_slice %arg6[%dma_start3A_39, %dma_start3A_40, %dma_start3A_41] : memref<2x200x128xf32, #tpu.memory_space<vmem>> -> memref<1x8x128xf32, #tpu.memory_space<vmem>>
    %dma_start3A_43 = tpu.memref_squeeze %dma_start3A_42 : memref<1x8x128xf32, #tpu.memory_space<vmem>> -> memref<8x128xf32, #tpu.memory_space<vmem>>
    %dma_start3A_44 = arith.constant 192 : i32
    %dma_start3A_45 = tpu.memref_slice %arg5[%dma_start3A_38, %dma_start3A_44] : memref<128x200xi32, #tpu.memory_space<vmem>> -> memref<1x8xi32, #tpu.memory_space<vmem>>
    %dma_start3A_46 = tpu.memref_squeeze %dma_start3A_45 : memref<1x8xi32, #tpu.memory_space<vmem>> -> memref<8xi32, #tpu.memory_space<vmem>>
    %dma_start3A_47 = arith.constant 0 : i32
    %dma_start3A_48 = arith.constant 0 : i32
    %dma_start3A_49 = tpu.memref_slice %arg3[%dma_start3A_47, %dma_start3A_48] : memref<100000x128xf32, #tpu.memory_space<hbm>> -> memref<100000x128xf32, #tpu.memory_space<hbm>>
    tpu.enqueue_indirect_dma source(%dma_start3A_49 : memref<100000x128xf32, #tpu.memory_space<hbm>>) target(%dma_start3A_43 : memref<8x128xf32, #tpu.memory_space<vmem>>) offsets(%dma_start3A_46 : memref<8xi32, #tpu.memory_space<vmem>>) semaphore(%arg8 : memref<!tpu.dma_semaphore, #tpu.memory_space<semaphore_mem>>)
    %scan3A = arith.constant 0 : i32
    %scan3A_50 = arith.constant 0 : i32
    %scan3A_51 = arith.constant 64 : i32
    %scan3A_52 = arith.addi %scan3A_50, %scan3A_51 : i32
    %scan3A_53 = arith.constant 1 : i32
    scf.for %scan3A_55 = %scan3A_50 to %scan3A_52 step %scan3A_53  : i32 {
      %mul3A_56 = arith.constant 2 : i32
      %mul3A_57 = arith.muli %scan3A_55, %mul3A_56 : i32
      %add3A_58 = arith.constant 0 : i32
      %add3A_59 = arith.addi %mul3A_57, %add3A_58 : i32
      %add3A_60 = arith.constant 1 : i32
      %add3A_61 = arith.addi %add3A_59, %add3A_60 : i32
      %lt3A = arith.constant 128 : i32
      %lt3A_62 = arith.cmpi slt, %add3A_61, %lt3A : i32
      %convert_element_type3A = arith.extui %lt3A_62 : i1 to i32
      %cond3A = arith.constant 0 : i32
      %cond3A_63 = arith.cmpi ne, %convert_element_type3A, %cond3A : i32
      scf.if %cond3A_63 {
        %add3A_463 = arith.constant 1 : i32
        %add3A_464 = arith.addi %add3A_59, %add3A_463 : i32
        %dma_start3A_465 = arith.constant 1 : i32
        %dma_start3A_466 = arith.constant 0 : i32
        %dma_start3A_467 = arith.constant 0 : i32
        %dma_start3A_468 = tpu.memref_slice %arg6[%dma_start3A_465, %dma_start3A_466, %dma_start3A_467] : memref<2x200x128xf32, #tpu.memory_space<vmem>> -> memref<1x64x128xf32, #tpu.memory_space<vmem>>
        %dma_start3A_469 = tpu.memref_squeeze %dma_start3A_468 : memref<1x64x128xf32, #tpu.memory_space<vmem>> -> memref<64x128xf32, #tpu.memory_space<vmem>>
        %dma_start3A_470 = arith.constant 0 : i32
        %dma_start3A_471 = tpu.memref_slice %arg5[%add3A_464, %dma_start3A_470] : memref<128x200xi32, #tpu.memory_space<vmem>> -> memref<1x64xi32, #tpu.memory_space<vmem>>
        %dma_start3A_472 = tpu.memref_squeeze %dma_start3A_471 : memref<1x64xi32, #tpu.memory_space<vmem>> -> memref<64xi32, #tpu.memory_space<vmem>>
        %dma_start3A_473 = arith.constant 0 : i32
        %dma_start3A_474 = arith.constant 0 : i32
        %dma_start3A_475 = tpu.memref_slice %arg3[%dma_start3A_473, %dma_start3A_474] : memref<100000x128xf32, #tpu.memory_space<hbm>> -> memref<100000x128xf32, #tpu.memory_space<hbm>>
        tpu.enqueue_indirect_dma source(%dma_start3A_475 : memref<100000x128xf32, #tpu.memory_space<hbm>>) target(%dma_start3A_469 : memref<64x128xf32, #tpu.memory_space<vmem>>) offsets(%dma_start3A_472 : memref<64xi32, #tpu.memory_space<vmem>>) semaphore(%arg9 : memref<!tpu.dma_semaphore, #tpu.memory_space<semaphore_mem>>)
        %dma_start3A_476 = arith.constant 1 : i32
        %dma_start3A_477 = arith.constant 64 : i32
        %dma_start3A_478 = arith.constant 0 : i32
        %dma_start3A_479 = tpu.memref_slice %arg6[%dma_start3A_476, %dma_start3A_477, %dma_start3A_478] : memref<2x200x128xf32, #tpu.memory_space<vmem>> -> memref<1x64x128xf32, #tpu.memory_space<vmem>>
        %dma_start3A_480 = tpu.memref_squeeze %dma_start3A_479 : memref<1x64x128xf32, #tpu.memory_space<vmem>> -> memref<64x128xf32, #tpu.memory_space<vmem>>
        %dma_start3A_481 = arith.constant 64 : i32
        %dma_start3A_482 = tpu.memref_slice %arg5[%add3A_464, %dma_start3A_481] : memref<128x200xi32, #tpu.memory_space<vmem>> -> memref<1x64xi32, #tpu.memory_space<vmem>>
        %dma_start3A_483 = tpu.memref_squeeze %dma_start3A_482 : memref<1x64xi32, #tpu.memory_space<vmem>> -> memref<64xi32, #tpu.memory_space<vmem>>
        %dma_start3A_484 = arith.constant 0 : i32
        %dma_start3A_485 = arith.constant 0 : i32
        %dma_start3A_486 = tpu.memref_slice %arg3[%dma_start3A_484, %dma_start3A_485] : memref<100000x128xf32, #tpu.memory_space<hbm>> -> memref<100000x128xf32, #tpu.memory_space<hbm>>
        tpu.enqueue_indirect_dma source(%dma_start3A_486 : memref<100000x128xf32, #tpu.memory_space<hbm>>) target(%dma_start3A_480 : memref<64x128xf32, #tpu.memory_space<vmem>>) offsets(%dma_start3A_483 : memref<64xi32, #tpu.memory_space<vmem>>) semaphore(%arg9 : memref<!tpu.dma_semaphore, #tpu.memory_space<semaphore_mem>>)
        %dma_start3A_487 = arith.constant 1 : i32
        %dma_start3A_488 = arith.constant 128 : i32
        %dma_start3A_489 = arith.constant 0 : i32
        %dma_start3A_490 = tpu.memref_slice %arg6[%dma_start3A_487, %dma_start3A_488, %dma_start3A_489] : memref<2x200x128xf32, #tpu.memory_space<vmem>> -> memref<1x64x128xf32, #tpu.memory_space<vmem>>
        %dma_start3A_491 = tpu.memref_squeeze %dma_start3A_490 : memref<1x64x128xf32, #tpu.memory_space<vmem>> -> memref<64x128xf32, #tpu.memory_space<vmem>>
        %dma_start3A_492 = arith.constant 128 : i32
        %dma_start3A_493 = tpu.memref_slice %arg5[%add3A_464, %dma_start3A_492] : memref<128x200xi32, #tpu.memory_space<vmem>> -> memref<1x64xi32, #tpu.memory_space<vmem>>
        %dma_start3A_494 = tpu.memref_squeeze %dma_start3A_493 : memref<1x64xi32, #tpu.memory_space<vmem>> -> memref<64xi32, #tpu.memory_space<vmem>>
        %dma_start3A_495 = arith.constant 0 : i32
        %dma_start3A_496 = arith.constant 0 : i32
        %dma_start3A_497 = tpu.memref_slice %arg3[%dma_start3A_495, %dma_start3A_496] : memref<100000x128xf32, #tpu.memory_space<hbm>> -> memref<100000x128xf32, #tpu.memory_space<hbm>>
        tpu.enqueue_indirect_dma source(%dma_start3A_497 : memref<100000x128xf32, #tpu.memory_space<hbm>>) target(%dma_start3A_491 : memref<64x128xf32, #tpu.memory_space<vmem>>) offsets(%dma_start3A_494 : memref<64xi32, #tpu.memory_space<vmem>>) semaphore(%arg9 : memref<!tpu.dma_semaphore, #tpu.memory_space<semaphore_mem>>)
        %dma_start3A_498 = arith.constant 1 : i32
        %dma_start3A_499 = arith.constant 192 : i32
        %dma_start3A_500 = arith.constant 0 : i32
        %dma_start3A_501 = tpu.memref_slice %arg6[%dma_start3A_498, %dma_start3A_499, %dma_start3A_500] : memref<2x200x128xf32, #tpu.memory_space<vmem>> -> memref<1x8x128xf32, #tpu.memory_space<vmem>>
        %dma_start3A_502 = tpu.memref_squeeze %dma_start3A_501 : memref<1x8x128xf32, #tpu.memory_space<vmem>> -> memref<8x128xf32, #tpu.memory_space<vmem>>
        %dma_start3A_503 = arith.constant 192 : i32
        %dma_start3A_504 = tpu.memref_slice %arg5[%add3A_464, %dma_start3A_503] : memref<128x200xi32, #tpu.memory_space<vmem>> -> memref<1x8xi32, #tpu.memory_space<vmem>>
        %dma_start3A_505 = tpu.memref_squeeze %dma_start3A_504 : memref<1x8xi32, #tpu.memory_space<vmem>> -> memref<8xi32, #tpu.memory_space<vmem>>
        %dma_start3A_506 = arith.constant 0 : i32
        %dma_start3A_507 = arith.constant 0 : i32
        %dma_start3A_508 = tpu.memref_slice %arg3[%dma_start3A_506, %dma_start3A_507] : memref<100000x128xf32, #tpu.memory_space<hbm>> -> memref<100000x128xf32, #tpu.memory_space<hbm>>
        tpu.enqueue_indirect_dma source(%dma_start3A_508 : memref<100000x128xf32, #tpu.memory_space<hbm>>) target(%dma_start3A_502 : memref<8x128xf32, #tpu.memory_space<vmem>>) offsets(%dma_start3A_505 : memref<8xi32, #tpu.memory_space<vmem>>) semaphore(%arg9 : memref<!tpu.dma_semaphore, #tpu.memory_space<semaphore_mem>>)
      } else {
      }
      %dma_wait3A = arith.constant 0 : i32
      %dma_wait3A_64 = arith.constant 0 : i32
      %dma_wait3A_65 = arith.constant 0 : i32
      %dma_wait3A_66 = tpu.memref_slice %arg6[%dma_wait3A, %dma_wait3A_64, %dma_wait3A_65] : memref<2x200x128xf32, #tpu.memory_space<vmem>> -> memref<1x64x128xf32, #tpu.memory_space<vmem>>
      %dma_wait3A_67 = tpu.memref_squeeze %dma_wait3A_66 : memref<1x64x128xf32, #tpu.memory_space<vmem>> -> memref<64x128xf32, #tpu.memory_space<vmem>>
      %dma_wait3A_68 = arith.constant 0 : i32
      %dma_wait3A_69 = tpu.memref_slice %arg5[%add3A_59, %dma_wait3A_68] : memref<128x200xi32, #tpu.memory_space<vmem>> -> memref<1x64xi32, #tpu.memory_space<vmem>>
      %dma_wait3A_70 = tpu.memref_squeeze %dma_wait3A_69 : memref<1x64xi32, #tpu.memory_space<vmem>> -> memref<64xi32, #tpu.memory_space<vmem>>
      %dma_wait3A_71 = arith.constant 0 : i32
      %dma_wait3A_72 = arith.constant 0 : i32
      %dma_wait3A_73 = tpu.memref_slice %arg3[%dma_wait3A_71, %dma_wait3A_72] : memref<100000x128xf32, #tpu.memory_space<hbm>> -> memref<100000x128xf32, #tpu.memory_space<hbm>>
      tpu.wait_indirect_dma semaphore(%arg8 : memref<!tpu.dma_semaphore, #tpu.memory_space<semaphore_mem>>) src(%dma_wait3A_73 : memref<100000x128xf32, #tpu.memory_space<hbm>>) dst(%dma_wait3A_67 : memref<64x128xf32, #tpu.memory_space<vmem>>)
      %dma_wait3A_74 = arith.constant 0 : i32
      %dma_wait3A_75 = arith.constant 64 : i32
      %dma_wait3A_76 = arith.constant 0 : i32
      %dma_wait3A_77 = tpu.memref_slice %arg6[%dma_wait3A_74, %dma_wait3A_75, %dma_wait3A_76] : memref<2x200x128xf32, #tpu.memory_space<vmem>> -> memref<1x64x128xf32, #tpu.memory_space<vmem>>
      %dma_wait3A_78 = tpu.memref_squeeze %dma_wait3A_77 : memref<1x64x128xf32, #tpu.memory_space<vmem>> -> memref<64x128xf32, #tpu.memory_space<vmem>>
      %dma_wait3A_79 = arith.constant 64 : i32
      %dma_wait3A_80 = tpu.memref_slice %arg5[%add3A_59, %dma_wait3A_79] : memref<128x200xi32, #tpu.memory_space<vmem>> -> memref<1x64xi32, #tpu.memory_space<vmem>>
      %dma_wait3A_81 = tpu.memref_squeeze %dma_wait3A_80 : memref<1x64xi32, #tpu.memory_space<vmem>> -> memref<64xi32, #tpu.memory_space<vmem>>
      %dma_wait3A_82 = arith.constant 0 : i32
      %dma_wait3A_83 = arith.constant 0 : i32
      %dma_wait3A_84 = tpu.memref_slice %arg3[%dma_wait3A_82, %dma_wait3A_83] : memref<100000x128xf32, #tpu.memory_space<hbm>> -> memref<100000x128xf32, #tpu.memory_space<hbm>>
      tpu.wait_indirect_dma semaphore(%arg8 : memref<!tpu.dma_semaphore, #tpu.memory_space<semaphore_mem>>) src(%dma_wait3A_84 : memref<100000x128xf32, #tpu.memory_space<hbm>>) dst(%dma_wait3A_78 : memref<64x128xf32, #tpu.memory_space<vmem>>)
      %dma_wait3A_85 = arith.constant 0 : i32
      %dma_wait3A_86 = arith.constant 128 : i32
      %dma_wait3A_87 = arith.constant 0 : i32
      %dma_wait3A_88 = tpu.memref_slice %arg6[%dma_wait3A_85, %dma_wait3A_86, %dma_wait3A_87] : memref<2x200x128xf32, #tpu.memory_space<vmem>> -> memref<1x64x128xf32, #tpu.memory_space<vmem>>
      %dma_wait3A_89 = tpu.memref_squeeze %dma_wait3A_88 : memref<1x64x128xf32, #tpu.memory_space<vmem>> -> memref<64x128xf32, #tpu.memory_space<vmem>>
      %dma_wait3A_90 = arith.constant 128 : i32
      %dma_wait3A_91 = tpu.memref_slice %arg5[%add3A_59, %dma_wait3A_90] : memref<128x200xi32, #tpu.memory_space<vmem>> -> memref<1x64xi32, #tpu.memory_space<vmem>>
      %dma_wait3A_92 = tpu.memref_squeeze %dma_wait3A_91 : memref<1x64xi32, #tpu.memory_space<vmem>> -> memref<64xi32, #tpu.memory_space<vmem>>
      %dma_wait3A_93 = arith.constant 0 : i32
      %dma_wait3A_94 = arith.constant 0 : i32
      %dma_wait3A_95 = tpu.memref_slice %arg3[%dma_wait3A_93, %dma_wait3A_94] : memref<100000x128xf32, #tpu.memory_space<hbm>> -> memref<100000x128xf32, #tpu.memory_space<hbm>>
      tpu.wait_indirect_dma semaphore(%arg8 : memref<!tpu.dma_semaphore, #tpu.memory_space<semaphore_mem>>) src(%dma_wait3A_95 : memref<100000x128xf32, #tpu.memory_space<hbm>>) dst(%dma_wait3A_89 : memref<64x128xf32, #tpu.memory_space<vmem>>)
      %dma_wait3A_96 = arith.constant 0 : i32
      %dma_wait3A_97 = arith.constant 192 : i32
      %dma_wait3A_98 = arith.constant 0 : i32
      %dma_wait3A_99 = tpu.memref_slice %arg6[%dma_wait3A_96, %dma_wait3A_97, %dma_wait3A_98] : memref<2x200x128xf32, #tpu.memory_space<vmem>> -> memref<1x8x128xf32, #tpu.memory_space<vmem>>
      %dma_wait3A_100 = tpu.memref_squeeze %dma_wait3A_99 : memref<1x8x128xf32, #tpu.memory_space<vmem>> -> memref<8x128xf32, #tpu.memory_space<vmem>>
      %dma_wait3A_101 = arith.constant 192 : i32
      %dma_wait3A_102 = tpu.memref_slice %arg5[%add3A_59, %dma_wait3A_101] : memref<128x200xi32, #tpu.memory_space<vmem>> -> memref<1x8xi32, #tpu.memory_space<vmem>>
      %dma_wait3A_103 = tpu.memref_squeeze %dma_wait3A_102 : memref<1x8xi32, #tpu.memory_space<vmem>> -> memref<8xi32, #tpu.memory_space<vmem>>
      %dma_wait3A_104 = arith.constant 0 : i32
      %dma_wait3A_105 = arith.constant 0 : i32
      %dma_wait3A_106 = tpu.memref_slice %arg3[%dma_wait3A_104, %dma_wait3A_105] : memref<100000x128xf32, #tpu.memory_space<hbm>> -> memref<100000x128xf32, #tpu.memory_space<hbm>>
      tpu.wait_indirect_dma semaphore(%arg8 : memref<!tpu.dma_semaphore, #tpu.memory_space<semaphore_mem>>) src(%dma_wait3A_106 : memref<100000x128xf32, #tpu.memory_space<hbm>>) dst(%dma_wait3A_100 : memref<8x128xf32, #tpu.memory_space<vmem>>)
      %broadcast_in_dim3A = arith.constant 0 : i32
      %broadcast_in_dim3A_107 = vector.broadcast %broadcast_in_dim3A : i32 to vector<16xi32>
      %get3A = arith.index_cast %add3A_59 : i32 to index
      %get3A_108 = arith.constant 0 : index
      %get3A_109 = tpu.vector_load %arg5[%get3A, %get3A_108] {strides = array<i32>} : memref<128x200xi32, #tpu.memory_space<vmem>>, vector<16xi32>,
      %ne3A = arith.constant 0 : i32
      %ne3A_110 = vector.broadcast %ne3A : i32 to vector<16xi32>
      %ne3A_111 = arith.cmpi ne, %get3A_109, %ne3A_110 : vector<16xi32>
      %all_reduce_population_count3A = tpu.all_reduce %ne3A_111 {dim = 0 : i64, kind = #tpu.reduction_kind<sum>} : vector<16xi1> -> vector<16xi32>
      %add3A_112 = arith.addi %broadcast_in_dim3A_107, %all_reduce_population_count3A : vector<16xi32>
      %get3A_113 = arith.index_cast %add3A_59 : i32 to index
      %get3A_114 = arith.constant 16 : index
      %get3A_115 = tpu.vector_load %arg5[%get3A_113, %get3A_114] {strides = array<i32>} : memref<128x200xi32, #tpu.memory_space<vmem>>, vector<16xi32>,
      %ne3A_116 = arith.constant 0 : i32
      %ne3A_117 = vector.broadcast %ne3A_116 : i32 to vector<16xi32>
      %ne3A_118 = arith.cmpi ne, %get3A_115, %ne3A_117 : vector<16xi32>
      %all_reduce_population_count3A_119 = tpu.all_reduce %ne3A_118 {dim = 0 : i64, kind = #tpu.reduction_kind<sum>} : vector<16xi1> -> vector<16xi32>
      %add3A_120 = arith.addi %add3A_112, %all_reduce_population_count3A_119 : vector<16xi32>
      %get3A_121 = arith.index_cast %add3A_59 : i32 to index
      %get3A_122 = arith.constant 32 : index
      %get3A_123 = tpu.vector_load %arg5[%get3A_121, %get3A_122] {strides = array<i32>} : memref<128x200xi32, #tpu.memory_space<vmem>>, vector<16xi32>,
      %ne3A_124 = arith.constant 0 : i32
      %ne3A_125 = vector.broadcast %ne3A_124 : i32 to vector<16xi32>
      %ne3A_126 = arith.cmpi ne, %get3A_123, %ne3A_125 : vector<16xi32>
      %all_reduce_population_count3A_127 = tpu.all_reduce %ne3A_126 {dim = 0 : i64, kind = #tpu.reduction_kind<sum>} : vector<16xi1> -> vector<16xi32>
      %add3A_128 = arith.addi %add3A_120, %all_reduce_population_count3A_127 : vector<16xi32>
      %get3A_129 = arith.index_cast %add3A_59 : i32 to index
      %get3A_130 = arith.constant 48 : index
      %get3A_131 = tpu.vector_load %arg5[%get3A_129, %get3A_130] {strides = array<i32>} : memref<128x200xi32, #tpu.memory_space<vmem>>, vector<16xi32>,
      %ne3A_132 = arith.constant 0 : i32
      %ne3A_133 = vector.broadcast %ne3A_132 : i32 to vector<16xi32>
      %ne3A_134 = arith.cmpi ne, %get3A_131, %ne3A_133 : vector<16xi32>
      %all_reduce_population_count3A_135 = tpu.all_reduce %ne3A_134 {dim = 0 : i64, kind = #tpu.reduction_kind<sum>} : vector<16xi1> -> vector<16xi32>
      %add3A_136 = arith.addi %add3A_128, %all_reduce_population_count3A_135 : vector<16xi32>
      %get3A_137 = arith.index_cast %add3A_59 : i32 to index
      %get3A_138 = arith.constant 64 : index
      %get3A_139 = tpu.vector_load %arg5[%get3A_137, %get3A_138] {strides = array<i32>} : memref<128x200xi32, #tpu.memory_space<vmem>>, vector<16xi32>,
      %ne3A_140 = arith.constant 0 : i32
      %ne3A_141 = vector.broadcast %ne3A_140 : i32 to vector<16xi32>
      %ne3A_142 = arith.cmpi ne, %get3A_139, %ne3A_141 : vector<16xi32>
      %all_reduce_population_count3A_143 = tpu.all_reduce %ne3A_142 {dim = 0 : i64, kind = #tpu.reduction_kind<sum>} : vector<16xi1> -> vector<16xi32>
      %add3A_144 = arith.addi %add3A_136, %all_reduce_population_count3A_143 : vector<16xi32>
      %get3A_145 = arith.index_cast %add3A_59 : i32 to index
      %get3A_146 = arith.constant 80 : index
      %get3A_147 = tpu.vector_load %arg5[%get3A_145, %get3A_146] {strides = array<i32>} : memref<128x200xi32, #tpu.memory_space<vmem>>, vector<16xi32>,
      %ne3A_148 = arith.constant 0 : i32
      %ne3A_149 = vector.broadcast %ne3A_148 : i32 to vector<16xi32>
      %ne3A_150 = arith.cmpi ne, %get3A_147, %ne3A_149 : vector<16xi32>
      %all_reduce_population_count3A_151 = tpu.all_reduce %ne3A_150 {dim = 0 : i64, kind = #tpu.reduction_kind<sum>} : vector<16xi1> -> vector<16xi32>
      %add3A_152 = arith.addi %add3A_144, %all_reduce_population_count3A_151 : vector<16xi32>
      %get3A_153 = arith.index_cast %add3A_59 : i32 to index
      %get3A_154 = arith.constant 96 : index
      %get3A_155 = tpu.vector_load %arg5[%get3A_153, %get3A_154] {strides = array<i32>} : memref<128x200xi32, #tpu.memory_space<vmem>>, vector<16xi32>,
      %ne3A_156 = arith.constant 0 : i32
      %ne3A_157 = vector.broadcast %ne3A_156 : i32 to vector<16xi32>
      %ne3A_158 = arith.cmpi ne, %get3A_155, %ne3A_157 : vector<16xi32>
      %all_reduce_population_count3A_159 = tpu.all_reduce %ne3A_158 {dim = 0 : i64, kind = #tpu.reduction_kind<sum>} : vector<16xi1> -> vector<16xi32>
      %add3A_160 = arith.addi %add3A_152, %all_reduce_population_count3A_159 : vector<16xi32>
      %get3A_161 = arith.index_cast %add3A_59 : i32 to index
      %get3A_162 = arith.constant 112 : index
      %get3A_163 = tpu.vector_load %arg5[%get3A_161, %get3A_162] {strides = array<i32>} : memref<128x200xi32, #tpu.memory_space<vmem>>, vector<16xi32>,
      %ne3A_164 = arith.constant 0 : i32
      %ne3A_165 = vector.broadcast %ne3A_164 : i32 to vector<16xi32>
      %ne3A_166 = arith.cmpi ne, %get3A_163, %ne3A_165 : vector<16xi32>
      %all_reduce_population_count3A_167 = tpu.all_reduce %ne3A_166 {dim = 0 : i64, kind = #tpu.reduction_kind<sum>} : vector<16xi1> -> vector<16xi32>
      %add3A_168 = arith.addi %add3A_160, %all_reduce_population_count3A_167 : vector<16xi32>
      %get3A_169 = arith.index_cast %add3A_59 : i32 to index
      %get3A_170 = arith.constant 128 : index
      %get3A_171 = tpu.vector_load %arg5[%get3A_169, %get3A_170] {strides = array<i32>} : memref<128x200xi32, #tpu.memory_space<vmem>>, vector<16xi32>,
      %ne3A_172 = arith.constant 0 : i32
      %ne3A_173 = vector.broadcast %ne3A_172 : i32 to vector<16xi32>
      %ne3A_174 = arith.cmpi ne, %get3A_171, %ne3A_173 : vector<16xi32>
      %all_reduce_population_count3A_175 = tpu.all_reduce %ne3A_174 {dim = 0 : i64, kind = #tpu.reduction_kind<sum>} : vector<16xi1> -> vector<16xi32>
      %add3A_176 = arith.addi %add3A_168, %all_reduce_population_count3A_175 : vector<16xi32>
      %get3A_177 = arith.index_cast %add3A_59 : i32 to index
      %get3A_178 = arith.constant 144 : index
      %get3A_179 = tpu.vector_load %arg5[%get3A_177, %get3A_178] {strides = array<i32>} : memref<128x200xi32, #tpu.memory_space<vmem>>, vector<16xi32>,
      %ne3A_180 = arith.constant 0 : i32
      %ne3A_181 = vector.broadcast %ne3A_180 : i32 to vector<16xi32>
      %ne3A_182 = arith.cmpi ne, %get3A_179, %ne3A_181 : vector<16xi32>
      %all_reduce_population_count3A_183 = tpu.all_reduce %ne3A_182 {dim = 0 : i64, kind = #tpu.reduction_kind<sum>} : vector<16xi1> -> vector<16xi32>
      %add3A_184 = arith.addi %add3A_176, %all_reduce_population_count3A_183 : vector<16xi32>
      %get3A_185 = arith.index_cast %add3A_59 : i32 to index
      %get3A_186 = arith.constant 160 : index
      %get3A_187 = tpu.vector_load %arg5[%get3A_185, %get3A_186] {strides = array<i32>} : memref<128x200xi32, #tpu.memory_space<vmem>>, vector<16xi32>,
      %ne3A_188 = arith.constant 0 : i32
      %ne3A_189 = vector.broadcast %ne3A_188 : i32 to vector<16xi32>
      %ne3A_190 = arith.cmpi ne, %get3A_187, %ne3A_189 : vector<16xi32>
      %all_reduce_population_count3A_191 = tpu.all_reduce %ne3A_190 {dim = 0 : i64, kind = #tpu.reduction_kind<sum>} : vector<16xi1> -> vector<16xi32>
      %add3A_192 = arith.addi %add3A_184, %all_reduce_population_count3A_191 : vector<16xi32>
      %get3A_193 = arith.index_cast %add3A_59 : i32 to index
      %get3A_194 = arith.constant 176 : index
      %get3A_195 = tpu.vector_load %arg5[%get3A_193, %get3A_194] {strides = array<i32>} : memref<128x200xi32, #tpu.memory_space<vmem>>, vector<16xi32>,
      %ne3A_196 = arith.constant 0 : i32
      %ne3A_197 = vector.broadcast %ne3A_196 : i32 to vector<16xi32>
      %ne3A_198 = arith.cmpi ne, %get3A_195, %ne3A_197 : vector<16xi32>
      %all_reduce_population_count3A_199 = tpu.all_reduce %ne3A_198 {dim = 0 : i64, kind = #tpu.reduction_kind<sum>} : vector<16xi1> -> vector<16xi32>
      %add3A_200 = arith.addi %add3A_192, %all_reduce_population_count3A_199 : vector<16xi32>
      %get3A_201 = arith.index_cast %add3A_59 : i32 to index
      %get3A_202 = arith.constant 184 : index
      %get3A_203 = tpu.vector_load %arg5[%get3A_201, %get3A_202] {strides = array<i32>} : memref<128x200xi32, #tpu.memory_space<vmem>>, vector<16xi32>,
      %ne3A_204 = arith.constant 0 : i32
      %ne3A_205 = vector.broadcast %ne3A_204 : i32 to vector<16xi32>
      %ne3A_206 = arith.cmpi ne, %get3A_203, %ne3A_205 : vector<16xi32>
      %iota3A = tpu.iota {dimensions = array<i32: 0>} : vector<16xi32>
      %ge3A = arith.constant 8 : i32
      %ge3A_207 = vector.broadcast %ge3A : i32 to vector<16xi32>
      %ge3A_208 = arith.cmpi sge, %iota3A, %ge3A_207 : vector<16xi32>
      %and3A = arith.andi %ne3A_206, %ge3A_208 : vector<16xi1>
      %all_reduce_population_count3A_209 = tpu.all_reduce %and3A {dim = 0 : i64, kind = #tpu.reduction_kind<sum>} : vector<16xi1> -> vector<16xi32>
      %add3A_210 = arith.addi %add3A_200, %all_reduce_population_count3A_209 : vector<16xi32>
      %broadcast_in_dim3A_211 = arith.constant 0.000000e+00 : f32
      %broadcast_in_dim3A_212 = vector.broadcast %broadcast_in_dim3A_211 : f32 to vector<16xf32>
      %scan3A_213 = arith.constant 0 : i32
      %scan3A_214 = arith.constant 200 : i32
      %scan3A_215 = arith.addi %scan3A_213, %scan3A_214 : i32
      %scan3A_216 = arith.constant 1 : i32
      %scan3A_217:8 = scf.for %scan3A_463 = %scan3A_213 to %scan3A_215 step %scan3A_216 iter_args(%scan3A_464 = %broadcast_in_dim3A_212, %scan3A_465 = %broadcast_in_dim3A_212, %scan3A_466 = %broadcast_in_dim3A_212, %scan3A_467 = %broadcast_in_dim3A_212, %scan3A_468 = %broadcast_in_dim3A_212, %scan3A_469 = %broadcast_in_dim3A_212, %scan3A_470 = %broadcast_in_dim3A_212, %scan3A_471 = %broadcast_in_dim3A_212) -> (vector<16xf32>, vector<16xf32>, vector<16xf32>, vector<16xf32>, vector<16xf32>, vector<16xf32>, vector<16xf32>, vector<16xf32>)  : i32 {
        %broadcast_in_dim3A_472 = vector.broadcast %scan3A_463 : i32 to vector<16xi32>
        %lt3A_473 = arith.cmpi slt, %broadcast_in_dim3A_472, %add3A_210 : vector<16xi32>
        %get3A_474 = arith.constant 0 : i32
        %get3A_475 = arith.index_cast %get3A_474 : i32 to index
        %get3A_476 = arith.index_cast %scan3A_463 : i32 to index
        %get3A_477 = arith.constant 0 : index
        %get3A_478 = tpu.vector_load %arg6[%get3A_475, %get3A_476, %get3A_477] {strides = array<i32>} : memref<2x200x128xf32, #tpu.memory_space<vmem>>, vector<16xf32>,
        %select_n3A = arith.select %lt3A_473, %get3A_478, %broadcast_in_dim3A_212 : vector<16xi1>, vector<16xf32>
        %add3A_479 = arith.addf %scan3A_464, %select_n3A : vector<16xf32>
        %get3A_480 = arith.constant 0 : i32
        %get3A_481 = arith.index_cast %get3A_480 : i32 to index
        %get3A_482 = arith.index_cast %scan3A_463 : i32 to index
        %get3A_483 = arith.constant 16 : index
        %get3A_484 = tpu.vector_load %arg6[%get3A_481, %get3A_482, %get3A_483] {strides = array<i32>} : memref<2x200x128xf32, #tpu.memory_space<vmem>>, vector<16xf32>,
        %select_n3A_485 = arith.select %lt3A_473, %get3A_484, %broadcast_in_dim3A_212 : vector<16xi1>, vector<16xf32>
        %add3A_486 = arith.addf %scan3A_465, %select_n3A_485 : vector<16xf32>
        %get3A_487 = arith.constant 0 : i32
        %get3A_488 = arith.index_cast %get3A_487 : i32 to index
        %get3A_489 = arith.index_cast %scan3A_463 : i32 to index
        %get3A_490 = arith.constant 32 : index
        %get3A_491 = tpu.vector_load %arg6[%get3A_488, %get3A_489, %get3A_490] {strides = array<i32>} : memref<2x200x128xf32, #tpu.memory_space<vmem>>, vector<16xf32>,
        %select_n3A_492 = arith.select %lt3A_473, %get3A_491, %broadcast_in_dim3A_212 : vector<16xi1>, vector<16xf32>
        %add3A_493 = arith.addf %scan3A_466, %select_n3A_492 : vector<16xf32>
        %get3A_494 = arith.constant 0 : i32
        %get3A_495 = arith.index_cast %get3A_494 : i32 to index
        %get3A_496 = arith.index_cast %scan3A_463 : i32 to index
        %get3A_497 = arith.constant 48 : index
        %get3A_498 = tpu.vector_load %arg6[%get3A_495, %get3A_496, %get3A_497] {strides = array<i32>} : memref<2x200x128xf32, #tpu.memory_space<vmem>>, vector<16xf32>,
        %select_n3A_499 = arith.select %lt3A_473, %get3A_498, %broadcast_in_dim3A_212 : vector<16xi1>, vector<16xf32>
        %add3A_500 = arith.addf %scan3A_467, %select_n3A_499 : vector<16xf32>
        %get3A_501 = arith.constant 0 : i32
        %get3A_502 = arith.index_cast %get3A_501 : i32 to index
        %get3A_503 = arith.index_cast %scan3A_463 : i32 to index
        %get3A_504 = arith.constant 64 : index
        %get3A_505 = tpu.vector_load %arg6[%get3A_502, %get3A_503, %get3A_504] {strides = array<i32>} : memref<2x200x128xf32, #tpu.memory_space<vmem>>, vector<16xf32>,
        %select_n3A_506 = arith.select %lt3A_473, %get3A_505, %broadcast_in_dim3A_212 : vector<16xi1>, vector<16xf32>
        %add3A_507 = arith.addf %scan3A_468, %select_n3A_506 : vector<16xf32>
        %get3A_508 = arith.constant 0 : i32
        %get3A_509 = arith.index_cast %get3A_508 : i32 to index
        %get3A_510 = arith.index_cast %scan3A_463 : i32 to index
        %get3A_511 = arith.constant 80 : index
        %get3A_512 = tpu.vector_load %arg6[%get3A_509, %get3A_510, %get3A_511] {strides = array<i32>} : memref<2x200x128xf32, #tpu.memory_space<vmem>>, vector<16xf32>,
        %select_n3A_513 = arith.select %lt3A_473, %get3A_512, %broadcast_in_dim3A_212 : vector<16xi1>, vector<16xf32>
        %add3A_514 = arith.addf %scan3A_469, %select_n3A_513 : vector<16xf32>
        %get3A_515 = arith.constant 0 : i32
        %get3A_516 = arith.index_cast %get3A_515 : i32 to index
        %get3A_517 = arith.index_cast %scan3A_463 : i32 to index
        %get3A_518 = arith.constant 96 : index
        %get3A_519 = tpu.vector_load %arg6[%get3A_516, %get3A_517, %get3A_518] {strides = array<i32>} : memref<2x200x128xf32, #tpu.memory_space<vmem>>, vector<16xf32>,
        %select_n3A_520 = arith.select %lt3A_473, %get3A_519, %broadcast_in_dim3A_212 : vector<16xi1>, vector<16xf32>
        %add3A_521 = arith.addf %scan3A_470, %select_n3A_520 : vector<16xf32>
        %get3A_522 = arith.constant 0 : i32
        %get3A_523 = arith.index_cast %get3A_522 : i32 to index
        %get3A_524 = arith.index_cast %scan3A_463 : i32 to index
        %get3A_525 = arith.constant 112 : index
        %get3A_526 = tpu.vector_load %arg6[%get3A_523, %get3A_524, %get3A_525] {strides = array<i32>} : memref<2x200x128xf32, #tpu.memory_space<vmem>>, vector<16xf32>,
        %select_n3A_527 = arith.select %lt3A_473, %get3A_526, %broadcast_in_dim3A_212 : vector<16xi1>, vector<16xf32>
        %add3A_528 = arith.addf %scan3A_471, %select_n3A_527 : vector<16xf32>
        scf.yield %add3A_479, %add3A_486, %add3A_493, %add3A_500, %add3A_507, %add3A_514, %add3A_521, %add3A_528 : vector<16xf32>, vector<16xf32>, vector<16xf32>, vector<16xf32>, vector<16xf32>, vector<16xf32>, vector<16xf32>, vector<16xf32>
      }
      %scan3A_218 = arith.constant 200 : i32
      %convert_element_type3A_219 = arith.sitofp %add3A_210 : vector<16xi32> to vector<16xf32>
      %div3A = arith.constant 1.000000e+00 : f32
      %div3A_220 = vector.broadcast %div3A : f32 to vector<16xf32>
      %div3A_221 = arith.divf %div3A_220, %convert_element_type3A_219 : vector<16xf32>
      %mul3A_222 = arith.mulf %scan3A_217#0, %div3A_221 : vector<16xf32>
      %swap3A = arith.index_cast %add3A_59 : i32 to index
      %swap3A_223 = arith.constant 0 : index
      %swap3A_224 = tpu.vector_load %arg7[%swap3A, %swap3A_223] {strides = array<i32>} : memref<128x128xf32, #tpu.memory_space<vmem>>, vector<16xf32>,
      tpu.vector_store %arg7[%swap3A, %swap3A_223], %mul3A_222 {strides = array<i32>} : memref<128x128xf32, #tpu.memory_space<vmem>>, vector<16xf32>,
      %mul3A_225 = arith.mulf %scan3A_217#1, %div3A_221 : vector<16xf32>
      %swap3A_226 = arith.index_cast %add3A_59 : i32 to index
      %swap3A_227 = arith.constant 16 : index
      %swap3A_228 = tpu.vector_load %arg7[%swap3A_226, %swap3A_227] {strides = array<i32>} : memref<128x128xf32, #tpu.memory_space<vmem>>, vector<16xf32>,
      tpu.vector_store %arg7[%swap3A_226, %swap3A_227], %mul3A_225 {strides = array<i32>} : memref<128x128xf32, #tpu.memory_space<vmem>>, vector<16xf32>,
      %mul3A_229 = arith.mulf %scan3A_217#2, %div3A_221 : vector<16xf32>
      %swap3A_230 = arith.index_cast %add3A_59 : i32 to index
      %swap3A_231 = arith.constant 32 : index
      %swap3A_232 = tpu.vector_load %arg7[%swap3A_230, %swap3A_231] {strides = array<i32>} : memref<128x128xf32, #tpu.memory_space<vmem>>, vector<16xf32>,
      tpu.vector_store %arg7[%swap3A_230, %swap3A_231], %mul3A_229 {strides = array<i32>} : memref<128x128xf32, #tpu.memory_space<vmem>>, vector<16xf32>,
      %mul3A_233 = arith.mulf %scan3A_217#3, %div3A_221 : vector<16xf32>
      %swap3A_234 = arith.index_cast %add3A_59 : i32 to index
      %swap3A_235 = arith.constant 48 : index
      %swap3A_236 = tpu.vector_load %arg7[%swap3A_234, %swap3A_235] {strides = array<i32>} : memref<128x128xf32, #tpu.memory_space<vmem>>, vector<16xf32>,
      tpu.vector_store %arg7[%swap3A_234, %swap3A_235], %mul3A_233 {strides = array<i32>} : memref<128x128xf32, #tpu.memory_space<vmem>>, vector<16xf32>,
      %mul3A_237 = arith.mulf %scan3A_217#4, %div3A_221 : vector<16xf32>
      %swap3A_238 = arith.index_cast %add3A_59 : i32 to index
      %swap3A_239 = arith.constant 64 : index
      %swap3A_240 = tpu.vector_load %arg7[%swap3A_238, %swap3A_239] {strides = array<i32>} : memref<128x128xf32, #tpu.memory_space<vmem>>, vector<16xf32>,
      tpu.vector_store %arg7[%swap3A_238, %swap3A_239], %mul3A_237 {strides = array<i32>} : memref<128x128xf32, #tpu.memory_space<vmem>>, vector<16xf32>,
      %mul3A_241 = arith.mulf %scan3A_217#5, %div3A_221 : vector<16xf32>
      %swap3A_242 = arith.index_cast %add3A_59 : i32 to index
      %swap3A_243 = arith.constant 80 : index
      %swap3A_244 = tpu.vector_load %arg7[%swap3A_242, %swap3A_243] {strides = array<i32>} : memref<128x128xf32, #tpu.memory_space<vmem>>, vector<16xf32>,
      tpu.vector_store %arg7[%swap3A_242, %swap3A_243], %mul3A_241 {strides = array<i32>} : memref<128x128xf32, #tpu.memory_space<vmem>>, vector<16xf32>,
      %mul3A_245 = arith.mulf %scan3A_217#6, %div3A_221 : vector<16xf32>
      %swap3A_246 = arith.index_cast %add3A_59 : i32 to index
      %swap3A_247 = arith.constant 96 : index
      %swap3A_248 = tpu.vector_load %arg7[%swap3A_246, %swap3A_247] {strides = array<i32>} : memref<128x128xf32, #tpu.memory_space<vmem>>, vector<16xf32>,
      tpu.vector_store %arg7[%swap3A_246, %swap3A_247], %mul3A_245 {strides = array<i32>} : memref<128x128xf32, #tpu.memory_space<vmem>>, vector<16xf32>,
      %mul3A_249 = arith.mulf %scan3A_217#7, %div3A_221 : vector<16xf32>
      %swap3A_250 = arith.index_cast %add3A_59 : i32 to index
      %swap3A_251 = arith.constant 112 : index
      %swap3A_252 = tpu.vector_load %arg7[%swap3A_250, %swap3A_251] {strides = array<i32>} : memref<128x128xf32, #tpu.memory_space<vmem>>, vector<16xf32>,
      tpu.vector_store %arg7[%swap3A_250, %swap3A_251], %mul3A_249 {strides = array<i32>} : memref<128x128xf32, #tpu.memory_space<vmem>>, vector<16xf32>,
      %mul3A_253 = arith.constant 2 : i32
      %mul3A_254 = arith.muli %scan3A_55, %mul3A_253 : i32
      %add3A_255 = arith.constant 1 : i32
      %add3A_256 = arith.addi %mul3A_254, %add3A_255 : i32
      %add3A_257 = arith.constant 1 : i32
      %add3A_258 = arith.addi %add3A_256, %add3A_257 : i32
      %lt3A_259 = arith.constant 128 : i32
      %lt3A_260 = arith.cmpi slt, %add3A_258, %lt3A_259 : i32
      %convert_element_type3A_261 = arith.extui %lt3A_260 : i1 to i32
      %cond3A_262 = arith.constant 0 : i32
      %cond3A_263 = arith.cmpi ne, %convert_element_type3A_261, %cond3A_262 : i32
      scf.if %cond3A_263 {
        %add3A_463 = arith.constant 1 : i32
        %add3A_464 = arith.addi %add3A_256, %add3A_463 : i32
        %dma_start3A_465 = arith.constant 0 : i32
        %dma_start3A_466 = arith.constant 0 : i32
        %dma_start3A_467 = arith.constant 0 : i32
        %dma_start3A_468 = tpu.memref_slice %arg6[%dma_start3A_465, %dma_start3A_466, %dma_start3A_467] : memref<2x200x128xf32, #tpu.memory_space<vmem>> -> memref<1x64x128xf32, #tpu.memory_space<vmem>>
        %dma_start3A_469 = tpu.memref_squeeze %dma_start3A_468 : memref<1x64x128xf32, #tpu.memory_space<vmem>> -> memref<64x128xf32, #tpu.memory_space<vmem>>
        %dma_start3A_470 = arith.constant 0 : i32
        %dma_start3A_471 = tpu.memref_slice %arg5[%add3A_464, %dma_start3A_470] : memref<128x200xi32, #tpu.memory_space<vmem>> -> memref<1x64xi32, #tpu.memory_space<vmem>>
        %dma_start3A_472 = tpu.memref_squeeze %dma_start3A_471 : memref<1x64xi32, #tpu.memory_space<vmem>> -> memref<64xi32, #tpu.memory_space<vmem>>
        %dma_start3A_473 = arith.constant 0 : i32
        %dma_start3A_474 = arith.constant 0 : i32
        %dma_start3A_475 = tpu.memref_slice %arg3[%dma_start3A_473, %dma_start3A_474] : memref<100000x128xf32, #tpu.memory_space<hbm>> -> memref<100000x128xf32, #tpu.memory_space<hbm>>
        tpu.enqueue_indirect_dma source(%dma_start3A_475 : memref<100000x128xf32, #tpu.memory_space<hbm>>) target(%dma_start3A_469 : memref<64x128xf32, #tpu.memory_space<vmem>>) offsets(%dma_start3A_472 : memref<64xi32, #tpu.memory_space<vmem>>) semaphore(%arg8 : memref<!tpu.dma_semaphore, #tpu.memory_space<semaphore_mem>>)
        %dma_start3A_476 = arith.constant 0 : i32
        %dma_start3A_477 = arith.constant 64 : i32
        %dma_start3A_478 = arith.constant 0 : i32
        %dma_start3A_479 = tpu.memref_slice %arg6[%dma_start3A_476, %dma_start3A_477, %dma_start3A_478] : memref<2x200x128xf32, #tpu.memory_space<vmem>> -> memref<1x64x128xf32, #tpu.memory_space<vmem>>
        %dma_start3A_480 = tpu.memref_squeeze %dma_start3A_479 : memref<1x64x128xf32, #tpu.memory_space<vmem>> -> memref<64x128xf32, #tpu.memory_space<vmem>>
        %dma_start3A_481 = arith.constant 64 : i32
        %dma_start3A_482 = tpu.memref_slice %arg5[%add3A_464, %dma_start3A_481] : memref<128x200xi32, #tpu.memory_space<vmem>> -> memref<1x64xi32, #tpu.memory_space<vmem>>
        %dma_start3A_483 = tpu.memref_squeeze %dma_start3A_482 : memref<1x64xi32, #tpu.memory_space<vmem>> -> memref<64xi32, #tpu.memory_space<vmem>>
        %dma_start3A_484 = arith.constant 0 : i32
        %dma_start3A_485 = arith.constant 0 : i32
        %dma_start3A_486 = tpu.memref_slice %arg3[%dma_start3A_484, %dma_start3A_485] : memref<100000x128xf32, #tpu.memory_space<hbm>> -> memref<100000x128xf32, #tpu.memory_space<hbm>>
        tpu.enqueue_indirect_dma source(%dma_start3A_486 : memref<100000x128xf32, #tpu.memory_space<hbm>>) target(%dma_start3A_480 : memref<64x128xf32, #tpu.memory_space<vmem>>) offsets(%dma_start3A_483 : memref<64xi32, #tpu.memory_space<vmem>>) semaphore(%arg8 : memref<!tpu.dma_semaphore, #tpu.memory_space<semaphore_mem>>)
        %dma_start3A_487 = arith.constant 0 : i32
        %dma_start3A_488 = arith.constant 128 : i32
        %dma_start3A_489 = arith.constant 0 : i32
        %dma_start3A_490 = tpu.memref_slice %arg6[%dma_start3A_487, %dma_start3A_488, %dma_start3A_489] : memref<2x200x128xf32, #tpu.memory_space<vmem>> -> memref<1x64x128xf32, #tpu.memory_space<vmem>>
        %dma_start3A_491 = tpu.memref_squeeze %dma_start3A_490 : memref<1x64x128xf32, #tpu.memory_space<vmem>> -> memref<64x128xf32, #tpu.memory_space<vmem>>
        %dma_start3A_492 = arith.constant 128 : i32
        %dma_start3A_493 = tpu.memref_slice %arg5[%add3A_464, %dma_start3A_492] : memref<128x200xi32, #tpu.memory_space<vmem>> -> memref<1x64xi32, #tpu.memory_space<vmem>>
        %dma_start3A_494 = tpu.memref_squeeze %dma_start3A_493 : memref<1x64xi32, #tpu.memory_space<vmem>> -> memref<64xi32, #tpu.memory_space<vmem>>
        %dma_start3A_495 = arith.constant 0 : i32
        %dma_start3A_496 = arith.constant 0 : i32
        %dma_start3A_497 = tpu.memref_slice %arg3[%dma_start3A_495, %dma_start3A_496] : memref<100000x128xf32, #tpu.memory_space<hbm>> -> memref<100000x128xf32, #tpu.memory_space<hbm>>
        tpu.enqueue_indirect_dma source(%dma_start3A_497 : memref<100000x128xf32, #tpu.memory_space<hbm>>) target(%dma_start3A_491 : memref<64x128xf32, #tpu.memory_space<vmem>>) offsets(%dma_start3A_494 : memref<64xi32, #tpu.memory_space<vmem>>) semaphore(%arg8 : memref<!tpu.dma_semaphore, #tpu.memory_space<semaphore_mem>>)
        %dma_start3A_498 = arith.constant 0 : i32
        %dma_start3A_499 = arith.constant 192 : i32
        %dma_start3A_500 = arith.constant 0 : i32
        %dma_start3A_501 = tpu.memref_slice %arg6[%dma_start3A_498, %dma_start3A_499, %dma_start3A_500] : memref<2x200x128xf32, #tpu.memory_space<vmem>> -> memref<1x8x128xf32, #tpu.memory_space<vmem>>
        %dma_start3A_502 = tpu.memref_squeeze %dma_start3A_501 : memref<1x8x128xf32, #tpu.memory_space<vmem>> -> memref<8x128xf32, #tpu.memory_space<vmem>>
        %dma_start3A_503 = arith.constant 192 : i32
        %dma_start3A_504 = tpu.memref_slice %arg5[%add3A_464, %dma_start3A_503] : memref<128x200xi32, #tpu.memory_space<vmem>> -> memref<1x8xi32, #tpu.memory_space<vmem>>
        %dma_start3A_505 = tpu.memref_squeeze %dma_start3A_504 : memref<1x8xi32, #tpu.memory_space<vmem>> -> memref<8xi32, #tpu.memory_space<vmem>>
        %dma_start3A_506 = arith.constant 0 : i32
        %dma_start3A_507 = arith.constant 0 : i32
        %dma_start3A_508 = tpu.memref_slice %arg3[%dma_start3A_506, %dma_start3A_507] : memref<100000x128xf32, #tpu.memory_space<hbm>> -> memref<100000x128xf32, #tpu.memory_space<hbm>>
        tpu.enqueue_indirect_dma source(%dma_start3A_508 : memref<100000x128xf32, #tpu.memory_space<hbm>>) target(%dma_start3A_502 : memref<8x128xf32, #tpu.memory_space<vmem>>) offsets(%dma_start3A_505 : memref<8xi32, #tpu.memory_space<vmem>>) semaphore(%arg8 : memref<!tpu.dma_semaphore, #tpu.memory_space<semaphore_mem>>)
      } else {
      }
      %dma_wait3A_264 = arith.constant 1 : i32
      %dma_wait3A_265 = arith.constant 0 : i32
      %dma_wait3A_266 = arith.constant 0 : i32
      %dma_wait3A_267 = tpu.memref_slice %arg6[%dma_wait3A_264, %dma_wait3A_265, %dma_wait3A_266] : memref<2x200x128xf32, #tpu.memory_space<vmem>> -> memref<1x64x128xf32, #tpu.memory_space<vmem>>
      %dma_wait3A_268 = tpu.memref_squeeze %dma_wait3A_267 : memref<1x64x128xf32, #tpu.memory_space<vmem>> -> memref<64x128xf32, #tpu.memory_space<vmem>>
      %dma_wait3A_269 = arith.constant 0 : i32
      %dma_wait3A_270 = tpu.memref_slice %arg5[%add3A_256, %dma_wait3A_269] : memref<128x200xi32, #tpu.memory_space<vmem>> -> memref<1x64xi32, #tpu.memory_space<vmem>>
      %dma_wait3A_271 = tpu.memref_squeeze %dma_wait3A_270 : memref<1x64xi32, #tpu.memory_space<vmem>> -> memref<64xi32, #tpu.memory_space<vmem>>
      %dma_wait3A_272 = arith.constant 0 : i32
      %dma_wait3A_273 = arith.constant 0 : i32
      %dma_wait3A_274 = tpu.memref_slice %arg3[%dma_wait3A_272, %dma_wait3A_273] : memref<100000x128xf32, #tpu.memory_space<hbm>> -> memref<100000x128xf32, #tpu.memory_space<hbm>>
      tpu.wait_indirect_dma semaphore(%arg9 : memref<!tpu.dma_semaphore, #tpu.memory_space<semaphore_mem>>) src(%dma_wait3A_274 : memref<100000x128xf32, #tpu.memory_space<hbm>>) dst(%dma_wait3A_268 : memref<64x128xf32, #tpu.memory_space<vmem>>)
      %dma_wait3A_275 = arith.constant 1 : i32
      %dma_wait3A_276 = arith.constant 64 : i32
      %dma_wait3A_277 = arith.constant 0 : i32
      %dma_wait3A_278 = tpu.memref_slice %arg6[%dma_wait3A_275, %dma_wait3A_276, %dma_wait3A_277] : memref<2x200x128xf32, #tpu.memory_space<vmem>> -> memref<1x64x128xf32, #tpu.memory_space<vmem>>
      %dma_wait3A_279 = tpu.memref_squeeze %dma_wait3A_278 : memref<1x64x128xf32, #tpu.memory_space<vmem>> -> memref<64x128xf32, #tpu.memory_space<vmem>>
      %dma_wait3A_280 = arith.constant 64 : i32
      %dma_wait3A_281 = tpu.memref_slice %arg5[%add3A_256, %dma_wait3A_280] : memref<128x200xi32, #tpu.memory_space<vmem>> -> memref<1x64xi32, #tpu.memory_space<vmem>>
      %dma_wait3A_282 = tpu.memref_squeeze %dma_wait3A_281 : memref<1x64xi32, #tpu.memory_space<vmem>> -> memref<64xi32, #tpu.memory_space<vmem>>
      %dma_wait3A_283 = arith.constant 0 : i32
      %dma_wait3A_284 = arith.constant 0 : i32
      %dma_wait3A_285 = tpu.memref_slice %arg3[%dma_wait3A_283, %dma_wait3A_284] : memref<100000x128xf32, #tpu.memory_space<hbm>> -> memref<100000x128xf32, #tpu.memory_space<hbm>>
      tpu.wait_indirect_dma semaphore(%arg9 : memref<!tpu.dma_semaphore, #tpu.memory_space<semaphore_mem>>) src(%dma_wait3A_285 : memref<100000x128xf32, #tpu.memory_space<hbm>>) dst(%dma_wait3A_279 : memref<64x128xf32, #tpu.memory_space<vmem>>)
      %dma_wait3A_286 = arith.constant 1 : i32
      %dma_wait3A_287 = arith.constant 128 : i32
      %dma_wait3A_288 = arith.constant 0 : i32
      %dma_wait3A_289 = tpu.memref_slice %arg6[%dma_wait3A_286, %dma_wait3A_287, %dma_wait3A_288] : memref<2x200x128xf32, #tpu.memory_space<vmem>> -> memref<1x64x128xf32, #tpu.memory_space<vmem>>
      %dma_wait3A_290 = tpu.memref_squeeze %dma_wait3A_289 : memref<1x64x128xf32, #tpu.memory_space<vmem>> -> memref<64x128xf32, #tpu.memory_space<vmem>>
      %dma_wait3A_291 = arith.constant 128 : i32
      %dma_wait3A_292 = tpu.memref_slice %arg5[%add3A_256, %dma_wait3A_291] : memref<128x200xi32, #tpu.memory_space<vmem>> -> memref<1x64xi32, #tpu.memory_space<vmem>>
      %dma_wait3A_293 = tpu.memref_squeeze %dma_wait3A_292 : memref<1x64xi32, #tpu.memory_space<vmem>> -> memref<64xi32, #tpu.memory_space<vmem>>
      %dma_wait3A_294 = arith.constant 0 : i32
      %dma_wait3A_295 = arith.constant 0 : i32
      %dma_wait3A_296 = tpu.memref_slice %arg3[%dma_wait3A_294, %dma_wait3A_295] : memref<100000x128xf32, #tpu.memory_space<hbm>> -> memref<100000x128xf32, #tpu.memory_space<hbm>>
      tpu.wait_indirect_dma semaphore(%arg9 : memref<!tpu.dma_semaphore, #tpu.memory_space<semaphore_mem>>) src(%dma_wait3A_296 : memref<100000x128xf32, #tpu.memory_space<hbm>>) dst(%dma_wait3A_290 : memref<64x128xf32, #tpu.memory_space<vmem>>)
      %dma_wait3A_297 = arith.constant 1 : i32
      %dma_wait3A_298 = arith.constant 192 : i32
      %dma_wait3A_299 = arith.constant 0 : i32
      %dma_wait3A_300 = tpu.memref_slice %arg6[%dma_wait3A_297, %dma_wait3A_298, %dma_wait3A_299] : memref<2x200x128xf32, #tpu.memory_space<vmem>> -> memref<1x8x128xf32, #tpu.memory_space<vmem>>
      %dma_wait3A_301 = tpu.memref_squeeze %dma_wait3A_300 : memref<1x8x128xf32, #tpu.memory_space<vmem>> -> memref<8x128xf32, #tpu.memory_space<vmem>>
      %dma_wait3A_302 = arith.constant 192 : i32
      %dma_wait3A_303 = tpu.memref_slice %arg5[%add3A_256, %dma_wait3A_302] : memref<128x200xi32, #tpu.memory_space<vmem>> -> memref<1x8xi32, #tpu.memory_space<vmem>>
      %dma_wait3A_304 = tpu.memref_squeeze %dma_wait3A_303 : memref<1x8xi32, #tpu.memory_space<vmem>> -> memref<8xi32, #tpu.memory_space<vmem>>
      %dma_wait3A_305 = arith.constant 0 : i32
      %dma_wait3A_306 = arith.constant 0 : i32
      %dma_wait3A_307 = tpu.memref_slice %arg3[%dma_wait3A_305, %dma_wait3A_306] : memref<100000x128xf32, #tpu.memory_space<hbm>> -> memref<100000x128xf32, #tpu.memory_space<hbm>>
      tpu.wait_indirect_dma semaphore(%arg9 : memref<!tpu.dma_semaphore, #tpu.memory_space<semaphore_mem>>) src(%dma_wait3A_307 : memref<100000x128xf32, #tpu.memory_space<hbm>>) dst(%dma_wait3A_301 : memref<8x128xf32, #tpu.memory_space<vmem>>)
      %broadcast_in_dim3A_308 = arith.constant 0 : i32
      %broadcast_in_dim3A_309 = vector.broadcast %broadcast_in_dim3A_308 : i32 to vector<16xi32>
      %get3A_310 = arith.index_cast %add3A_256 : i32 to index
      %get3A_311 = arith.constant 0 : index
      %get3A_312 = tpu.vector_load %arg5[%get3A_310, %get3A_311] {strides = array<i32>} : memref<128x200xi32, #tpu.memory_space<vmem>>, vector<16xi32>,
      %ne3A_313 = arith.constant 0 : i32
      %ne3A_314 = vector.broadcast %ne3A_313 : i32 to vector<16xi32>
      %ne3A_315 = arith.cmpi ne, %get3A_312, %ne3A_314 : vector<16xi32>
      %all_reduce_population_count3A_316 = tpu.all_reduce %ne3A_315 {dim = 0 : i64, kind = #tpu.reduction_kind<sum>} : vector<16xi1> -> vector<16xi32>
      %add3A_317 = arith.addi %broadcast_in_dim3A_309, %all_reduce_population_count3A_316 : vector<16xi32>
      %get3A_318 = arith.index_cast %add3A_256 : i32 to index
      %get3A_319 = arith.constant 16 : index
      %get3A_320 = tpu.vector_load %arg5[%get3A_318, %get3A_319] {strides = array<i32>} : memref<128x200xi32, #tpu.memory_space<vmem>>, vector<16xi32>,
      %ne3A_321 = arith.constant 0 : i32
      %ne3A_322 = vector.broadcast %ne3A_321 : i32 to vector<16xi32>
      %ne3A_323 = arith.cmpi ne, %get3A_320, %ne3A_322 : vector<16xi32>
      %all_reduce_population_count3A_324 = tpu.all_reduce %ne3A_323 {dim = 0 : i64, kind = #tpu.reduction_kind<sum>} : vector<16xi1> -> vector<16xi32>
      %add3A_325 = arith.addi %add3A_317, %all_reduce_population_count3A_324 : vector<16xi32>
      %get3A_326 = arith.index_cast %add3A_256 : i32 to index
      %get3A_327 = arith.constant 32 : index
      %get3A_328 = tpu.vector_load %arg5[%get3A_326, %get3A_327] {strides = array<i32>} : memref<128x200xi32, #tpu.memory_space<vmem>>, vector<16xi32>,
      %ne3A_329 = arith.constant 0 : i32
      %ne3A_330 = vector.broadcast %ne3A_329 : i32 to vector<16xi32>
      %ne3A_331 = arith.cmpi ne, %get3A_328, %ne3A_330 : vector<16xi32>
      %all_reduce_population_count3A_332 = tpu.all_reduce %ne3A_331 {dim = 0 : i64, kind = #tpu.reduction_kind<sum>} : vector<16xi1> -> vector<16xi32>
      %add3A_333 = arith.addi %add3A_325, %all_reduce_population_count3A_332 : vector<16xi32>
      %get3A_334 = arith.index_cast %add3A_256 : i32 to index
      %get3A_335 = arith.constant 48 : index
      %get3A_336 = tpu.vector_load %arg5[%get3A_334, %get3A_335] {strides = array<i32>} : memref<128x200xi32, #tpu.memory_space<vmem>>, vector<16xi32>,
      %ne3A_337 = arith.constant 0 : i32
      %ne3A_338 = vector.broadcast %ne3A_337 : i32 to vector<16xi32>
      %ne3A_339 = arith.cmpi ne, %get3A_336, %ne3A_338 : vector<16xi32>
      %all_reduce_population_count3A_340 = tpu.all_reduce %ne3A_339 {dim = 0 : i64, kind = #tpu.reduction_kind<sum>} : vector<16xi1> -> vector<16xi32>
      %add3A_341 = arith.addi %add3A_333, %all_reduce_population_count3A_340 : vector<16xi32>
      %get3A_342 = arith.index_cast %add3A_256 : i32 to index
      %get3A_343 = arith.constant 64 : index
      %get3A_344 = tpu.vector_load %arg5[%get3A_342, %get3A_343] {strides = array<i32>} : memref<128x200xi32, #tpu.memory_space<vmem>>, vector<16xi32>,
      %ne3A_345 = arith.constant 0 : i32
      %ne3A_346 = vector.broadcast %ne3A_345 : i32 to vector<16xi32>
      %ne3A_347 = arith.cmpi ne, %get3A_344, %ne3A_346 : vector<16xi32>
      %all_reduce_population_count3A_348 = tpu.all_reduce %ne3A_347 {dim = 0 : i64, kind = #tpu.reduction_kind<sum>} : vector<16xi1> -> vector<16xi32>
      %add3A_349 = arith.addi %add3A_341, %all_reduce_population_count3A_348 : vector<16xi32>
      %get3A_350 = arith.index_cast %add3A_256 : i32 to index
      %get3A_351 = arith.constant 80 : index
      %get3A_352 = tpu.vector_load %arg5[%get3A_350, %get3A_351] {strides = array<i32>} : memref<128x200xi32, #tpu.memory_space<vmem>>, vector<16xi32>,
      %ne3A_353 = arith.constant 0 : i32
      %ne3A_354 = vector.broadcast %ne3A_353 : i32 to vector<16xi32>
      %ne3A_355 = arith.cmpi ne, %get3A_352, %ne3A_354 : vector<16xi32>
      %all_reduce_population_count3A_356 = tpu.all_reduce %ne3A_355 {dim = 0 : i64, kind = #tpu.reduction_kind<sum>} : vector<16xi1> -> vector<16xi32>
      %add3A_357 = arith.addi %add3A_349, %all_reduce_population_count3A_356 : vector<16xi32>
      %get3A_358 = arith.index_cast %add3A_256 : i32 to index
      %get3A_359 = arith.constant 96 : index
      %get3A_360 = tpu.vector_load %arg5[%get3A_358, %get3A_359] {strides = array<i32>} : memref<128x200xi32, #tpu.memory_space<vmem>>, vector<16xi32>,
      %ne3A_361 = arith.constant 0 : i32
      %ne3A_362 = vector.broadcast %ne3A_361 : i32 to vector<16xi32>
      %ne3A_363 = arith.cmpi ne, %get3A_360, %ne3A_362 : vector<16xi32>
      %all_reduce_population_count3A_364 = tpu.all_reduce %ne3A_363 {dim = 0 : i64, kind = #tpu.reduction_kind<sum>} : vector<16xi1> -> vector<16xi32>
      %add3A_365 = arith.addi %add3A_357, %all_reduce_population_count3A_364 : vector<16xi32>
      %get3A_366 = arith.index_cast %add3A_256 : i32 to index
      %get3A_367 = arith.constant 112 : index
      %get3A_368 = tpu.vector_load %arg5[%get3A_366, %get3A_367] {strides = array<i32>} : memref<128x200xi32, #tpu.memory_space<vmem>>, vector<16xi32>,
      %ne3A_369 = arith.constant 0 : i32
      %ne3A_370 = vector.broadcast %ne3A_369 : i32 to vector<16xi32>
      %ne3A_371 = arith.cmpi ne, %get3A_368, %ne3A_370 : vector<16xi32>
      %all_reduce_population_count3A_372 = tpu.all_reduce %ne3A_371 {dim = 0 : i64, kind = #tpu.reduction_kind<sum>} : vector<16xi1> -> vector<16xi32>
      %add3A_373 = arith.addi %add3A_365, %all_reduce_population_count3A_372 : vector<16xi32>
      %get3A_374 = arith.index_cast %add3A_256 : i32 to index
      %get3A_375 = arith.constant 128 : index
      %get3A_376 = tpu.vector_load %arg5[%get3A_374, %get3A_375] {strides = array<i32>} : memref<128x200xi32, #tpu.memory_space<vmem>>, vector<16xi32>,
      %ne3A_377 = arith.constant 0 : i32
      %ne3A_378 = vector.broadcast %ne3A_377 : i32 to vector<16xi32>
      %ne3A_379 = arith.cmpi ne, %get3A_376, %ne3A_378 : vector<16xi32>
      %all_reduce_population_count3A_380 = tpu.all_reduce %ne3A_379 {dim = 0 : i64, kind = #tpu.reduction_kind<sum>} : vector<16xi1> -> vector<16xi32>
      %add3A_381 = arith.addi %add3A_373, %all_reduce_population_count3A_380 : vector<16xi32>
      %get3A_382 = arith.index_cast %add3A_256 : i32 to index
      %get3A_383 = arith.constant 144 : index
      %get3A_384 = tpu.vector_load %arg5[%get3A_382, %get3A_383] {strides = array<i32>} : memref<128x200xi32, #tpu.memory_space<vmem>>, vector<16xi32>,
      %ne3A_385 = arith.constant 0 : i32
      %ne3A_386 = vector.broadcast %ne3A_385 : i32 to vector<16xi32>
      %ne3A_387 = arith.cmpi ne, %get3A_384, %ne3A_386 : vector<16xi32>
      %all_reduce_population_count3A_388 = tpu.all_reduce %ne3A_387 {dim = 0 : i64, kind = #tpu.reduction_kind<sum>} : vector<16xi1> -> vector<16xi32>
      %add3A_389 = arith.addi %add3A_381, %all_reduce_population_count3A_388 : vector<16xi32>
      %get3A_390 = arith.index_cast %add3A_256 : i32 to index
      %get3A_391 = arith.constant 160 : index
      %get3A_392 = tpu.vector_load %arg5[%get3A_390, %get3A_391] {strides = array<i32>} : memref<128x200xi32, #tpu.memory_space<vmem>>, vector<16xi32>,
      %ne3A_393 = arith.constant 0 : i32
      %ne3A_394 = vector.broadcast %ne3A_393 : i32 to vector<16xi32>
      %ne3A_395 = arith.cmpi ne, %get3A_392, %ne3A_394 : vector<16xi32>
      %all_reduce_population_count3A_396 = tpu.all_reduce %ne3A_395 {dim = 0 : i64, kind = #tpu.reduction_kind<sum>} : vector<16xi1> -> vector<16xi32>
      %add3A_397 = arith.addi %add3A_389, %all_reduce_population_count3A_396 : vector<16xi32>
      %get3A_398 = arith.index_cast %add3A_256 : i32 to index
      %get3A_399 = arith.constant 176 : index
      %get3A_400 = tpu.vector_load %arg5[%get3A_398, %get3A_399] {strides = array<i32>} : memref<128x200xi32, #tpu.memory_space<vmem>>, vector<16xi32>,
      %ne3A_401 = arith.constant 0 : i32
      %ne3A_402 = vector.broadcast %ne3A_401 : i32 to vector<16xi32>
      %ne3A_403 = arith.cmpi ne, %get3A_400, %ne3A_402 : vector<16xi32>
      %all_reduce_population_count3A_404 = tpu.all_reduce %ne3A_403 {dim = 0 : i64, kind = #tpu.reduction_kind<sum>} : vector<16xi1> -> vector<16xi32>
      %add3A_405 = arith.addi %add3A_397, %all_reduce_population_count3A_404 : vector<16xi32>
      %get3A_406 = arith.index_cast %add3A_256 : i32 to index
      %get3A_407 = arith.constant 184 : index
      %get3A_408 = tpu.vector_load %arg5[%get3A_406, %get3A_407] {strides = array<i32>} : memref<128x200xi32, #tpu.memory_space<vmem>>, vector<16xi32>,
      %ne3A_409 = arith.constant 0 : i32
      %ne3A_410 = vector.broadcast %ne3A_409 : i32 to vector<16xi32>
      %ne3A_411 = arith.cmpi ne, %get3A_408, %ne3A_410 : vector<16xi32>
      %iota3A_412 = tpu.iota {dimensions = array<i32: 0>} : vector<16xi32>
      %ge3A_413 = arith.constant 8 : i32
      %ge3A_414 = vector.broadcast %ge3A_413 : i32 to vector<16xi32>
      %ge3A_415 = arith.cmpi sge, %iota3A_412, %ge3A_414 : vector<16xi32>
      %and3A_416 = arith.andi %ne3A_411, %ge3A_415 : vector<16xi1>
      %all_reduce_population_count3A_417 = tpu.all_reduce %and3A_416 {dim = 0 : i64, kind = #tpu.reduction_kind<sum>} : vector<16xi1> -> vector<16xi32>
      %add3A_418 = arith.addi %add3A_405, %all_reduce_population_count3A_417 : vector<16xi32>
      %broadcast_in_dim3A_419 = arith.constant 0.000000e+00 : f32
      %broadcast_in_dim3A_420 = vector.broadcast %broadcast_in_dim3A_419 : f32 to vector<16xf32>
      %scan3A_421 = arith.constant 0 : i32
      %scan3A_422 = arith.constant 200 : i32
      %scan3A_423 = arith.addi %scan3A_421, %scan3A_422 : i32
      %scan3A_424 = arith.constant 1 : i32
      %scan3A_425:8 = scf.for %scan3A_463 = %scan3A_421 to %scan3A_423 step %scan3A_424 iter_args(%scan3A_464 = %broadcast_in_dim3A_420, %scan3A_465 = %broadcast_in_dim3A_420, %scan3A_466 = %broadcast_in_dim3A_420, %scan3A_467 = %broadcast_in_dim3A_420, %scan3A_468 = %broadcast_in_dim3A_420, %scan3A_469 = %broadcast_in_dim3A_420, %scan3A_470 = %broadcast_in_dim3A_420, %scan3A_471 = %broadcast_in_dim3A_420) -> (vector<16xf32>, vector<16xf32>, vector<16xf32>, vector<16xf32>, vector<16xf32>, vector<16xf32>, vector<16xf32>, vector<16xf32>)  : i32 {
        %broadcast_in_dim3A_472 = vector.broadcast %scan3A_463 : i32 to vector<16xi32>
        %lt3A_473 = arith.cmpi slt, %broadcast_in_dim3A_472, %add3A_418 : vector<16xi32>
        %get3A_474 = arith.constant 1 : i32
        %get3A_475 = arith.index_cast %get3A_474 : i32 to index
        %get3A_476 = arith.index_cast %scan3A_463 : i32 to index
        %get3A_477 = arith.constant 0 : index
        %get3A_478 = tpu.vector_load %arg6[%get3A_475, %get3A_476, %get3A_477] {strides = array<i32>} : memref<2x200x128xf32, #tpu.memory_space<vmem>>, vector<16xf32>,
        %select_n3A = arith.select %lt3A_473, %get3A_478, %broadcast_in_dim3A_420 : vector<16xi1>, vector<16xf32>
        %add3A_479 = arith.addf %scan3A_464, %select_n3A : vector<16xf32>
        %get3A_480 = arith.constant 1 : i32
        %get3A_481 = arith.index_cast %get3A_480 : i32 to index
        %get3A_482 = arith.index_cast %scan3A_463 : i32 to index
        %get3A_483 = arith.constant 16 : index
        %get3A_484 = tpu.vector_load %arg6[%get3A_481, %get3A_482, %get3A_483] {strides = array<i32>} : memref<2x200x128xf32, #tpu.memory_space<vmem>>, vector<16xf32>,
        %select_n3A_485 = arith.select %lt3A_473, %get3A_484, %broadcast_in_dim3A_420 : vector<16xi1>, vector<16xf32>
        %add3A_486 = arith.addf %scan3A_465, %select_n3A_485 : vector<16xf32>
        %get3A_487 = arith.constant 1 : i32
        %get3A_488 = arith.index_cast %get3A_487 : i32 to index
        %get3A_489 = arith.index_cast %scan3A_463 : i32 to index
        %get3A_490 = arith.constant 32 : index
        %get3A_491 = tpu.vector_load %arg6[%get3A_488, %get3A_489, %get3A_490] {strides = array<i32>} : memref<2x200x128xf32, #tpu.memory_space<vmem>>, vector<16xf32>,
        %select_n3A_492 = arith.select %lt3A_473, %get3A_491, %broadcast_in_dim3A_420 : vector<16xi1>, vector<16xf32>
        %add3A_493 = arith.addf %scan3A_466, %select_n3A_492 : vector<16xf32>
        %get3A_494 = arith.constant 1 : i32
        %get3A_495 = arith.index_cast %get3A_494 : i32 to index
        %get3A_496 = arith.index_cast %scan3A_463 : i32 to index
        %get3A_497 = arith.constant 48 : index
        %get3A_498 = tpu.vector_load %arg6[%get3A_495, %get3A_496, %get3A_497] {strides = array<i32>} : memref<2x200x128xf32, #tpu.memory_space<vmem>>, vector<16xf32>,
        %select_n3A_499 = arith.select %lt3A_473, %get3A_498, %broadcast_in_dim3A_420 : vector<16xi1>, vector<16xf32>
        %add3A_500 = arith.addf %scan3A_467, %select_n3A_499 : vector<16xf32>
        %get3A_501 = arith.constant 1 : i32
        %get3A_502 = arith.index_cast %get3A_501 : i32 to index
        %get3A_503 = arith.index_cast %scan3A_463 : i32 to index
        %get3A_504 = arith.constant 64 : index
        %get3A_505 = tpu.vector_load %arg6[%get3A_502, %get3A_503, %get3A_504] {strides = array<i32>} : memref<2x200x128xf32, #tpu.memory_space<vmem>>, vector<16xf32>,
        %select_n3A_506 = arith.select %lt3A_473, %get3A_505, %broadcast_in_dim3A_420 : vector<16xi1>, vector<16xf32>
        %add3A_507 = arith.addf %scan3A_468, %select_n3A_506 : vector<16xf32>
        %get3A_508 = arith.constant 1 : i32
        %get3A_509 = arith.index_cast %get3A_508 : i32 to index
        %get3A_510 = arith.index_cast %scan3A_463 : i32 to index
        %get3A_511 = arith.constant 80 : index
        %get3A_512 = tpu.vector_load %arg6[%get3A_509, %get3A_510, %get3A_511] {strides = array<i32>} : memref<2x200x128xf32, #tpu.memory_space<vmem>>, vector<16xf32>,
        %select_n3A_513 = arith.select %lt3A_473, %get3A_512, %broadcast_in_dim3A_420 : vector<16xi1>, vector<16xf32>
        %add3A_514 = arith.addf %scan3A_469, %select_n3A_513 : vector<16xf32>
        %get3A_515 = arith.constant 1 : i32
        %get3A_516 = arith.index_cast %get3A_515 : i32 to index
        %get3A_517 = arith.index_cast %scan3A_463 : i32 to index
        %get3A_518 = arith.constant 96 : index
        %get3A_519 = tpu.vector_load %arg6[%get3A_516, %get3A_517, %get3A_518] {strides = array<i32>} : memref<2x200x128xf32, #tpu.memory_space<vmem>>, vector<16xf32>,
        %select_n3A_520 = arith.select %lt3A_473, %get3A_519, %broadcast_in_dim3A_420 : vector<16xi1>, vector<16xf32>
        %add3A_521 = arith.addf %scan3A_470, %select_n3A_520 : vector<16xf32>
        %get3A_522 = arith.constant 1 : i32
        %get3A_523 = arith.index_cast %get3A_522 : i32 to index
        %get3A_524 = arith.index_cast %scan3A_463 : i32 to index
        %get3A_525 = arith.constant 112 : index
        %get3A_526 = tpu.vector_load %arg6[%get3A_523, %get3A_524, %get3A_525] {strides = array<i32>} : memref<2x200x128xf32, #tpu.memory_space<vmem>>, vector<16xf32>,
        %select_n3A_527 = arith.select %lt3A_473, %get3A_526, %broadcast_in_dim3A_420 : vector<16xi1>, vector<16xf32>
        %add3A_528 = arith.addf %scan3A_471, %select_n3A_527 : vector<16xf32>
        scf.yield %add3A_479, %add3A_486, %add3A_493, %add3A_500, %add3A_507, %add3A_514, %add3A_521, %add3A_528 : vector<16xf32>, vector<16xf32>, vector<16xf32>, vector<16xf32>, vector<16xf32>, vector<16xf32>, vector<16xf32>, vector<16xf32>
      }
      %scan3A_426 = arith.constant 200 : i32
      %convert_element_type3A_427 = arith.sitofp %add3A_418 : vector<16xi32> to vector<16xf32>
      %div3A_428 = arith.constant 1.000000e+00 : f32
      %div3A_429 = vector.broadcast %div3A_428 : f32 to vector<16xf32>
      %div3A_430 = arith.divf %div3A_429, %convert_element_type3A_427 : vector<16xf32>
      %mul3A_431 = arith.mulf %scan3A_425#0, %div3A_430 : vector<16xf32>
      %swap3A_432 = arith.index_cast %add3A_256 : i32 to index
      %swap3A_433 = arith.constant 0 : index
      %swap3A_434 = tpu.vector_load %arg7[%swap3A_432, %swap3A_433] {strides = array<i32>} : memref<128x128xf32, #tpu.memory_space<vmem>>, vector<16xf32>,
      tpu.vector_store %arg7[%swap3A_432, %swap3A_433], %mul3A_431 {strides = array<i32>} : memref<128x128xf32, #tpu.memory_space<vmem>>, vector<16xf32>,
      %mul3A_435 = arith.mulf %scan3A_425#1, %div3A_430 : vector<16xf32>
      %swap3A_436 = arith.index_cast %add3A_256 : i32 to index
      %swap3A_437 = arith.constant 16 : index
      %swap3A_438 = tpu.vector_load %arg7[%swap3A_436, %swap3A_437] {strides = array<i32>} : memref<128x128xf32, #tpu.memory_space<vmem>>, vector<16xf32>,
      tpu.vector_store %arg7[%swap3A_436, %swap3A_437], %mul3A_435 {strides = array<i32>} : memref<128x128xf32, #tpu.memory_space<vmem>>, vector<16xf32>,
      %mul3A_439 = arith.mulf %scan3A_425#2, %div3A_430 : vector<16xf32>
      %swap3A_440 = arith.index_cast %add3A_256 : i32 to index
      %swap3A_441 = arith.constant 32 : index
      %swap3A_442 = tpu.vector_load %arg7[%swap3A_440, %swap3A_441] {strides = array<i32>} : memref<128x128xf32, #tpu.memory_space<vmem>>, vector<16xf32>,
      tpu.vector_store %arg7[%swap3A_440, %swap3A_441], %mul3A_439 {strides = array<i32>} : memref<128x128xf32, #tpu.memory_space<vmem>>, vector<16xf32>,
      %mul3A_443 = arith.mulf %scan3A_425#3, %div3A_430 : vector<16xf32>
      %swap3A_444 = arith.index_cast %add3A_256 : i32 to index
      %swap3A_445 = arith.constant 48 : index
      %swap3A_446 = tpu.vector_load %arg7[%swap3A_444, %swap3A_445] {strides = array<i32>} : memref<128x128xf32, #tpu.memory_space<vmem>>, vector<16xf32>,
      tpu.vector_store %arg7[%swap3A_444, %swap3A_445], %mul3A_443 {strides = array<i32>} : memref<128x128xf32, #tpu.memory_space<vmem>>, vector<16xf32>,
      %mul3A_447 = arith.mulf %scan3A_425#4, %div3A_430 : vector<16xf32>
      %swap3A_448 = arith.index_cast %add3A_256 : i32 to index
      %swap3A_449 = arith.constant 64 : index
      %swap3A_450 = tpu.vector_load %arg7[%swap3A_448, %swap3A_449] {strides = array<i32>} : memref<128x128xf32, #tpu.memory_space<vmem>>, vector<16xf32>,
      tpu.vector_store %arg7[%swap3A_448, %swap3A_449], %mul3A_447 {strides = array<i32>} : memref<128x128xf32, #tpu.memory_space<vmem>>, vector<16xf32>,
      %mul3A_451 = arith.mulf %scan3A_425#5, %div3A_430 : vector<16xf32>
      %swap3A_452 = arith.index_cast %add3A_256 : i32 to index
      %swap3A_453 = arith.constant 80 : index
      %swap3A_454 = tpu.vector_load %arg7[%swap3A_452, %swap3A_453] {strides = array<i32>} : memref<128x128xf32, #tpu.memory_space<vmem>>, vector<16xf32>,
      tpu.vector_store %arg7[%swap3A_452, %swap3A_453], %mul3A_451 {strides = array<i32>} : memref<128x128xf32, #tpu.memory_space<vmem>>, vector<16xf32>,
      %mul3A_455 = arith.mulf %scan3A_425#6, %div3A_430 : vector<16xf32>
      %swap3A_456 = arith.index_cast %add3A_256 : i32 to index
      %swap3A_457 = arith.constant 96 : index
      %swap3A_458 = tpu.vector_load %arg7[%swap3A_456, %swap3A_457] {strides = array<i32>} : memref<128x128xf32, #tpu.memory_space<vmem>>, vector<16xf32>,
      tpu.vector_store %arg7[%swap3A_456, %swap3A_457], %mul3A_455 {strides = array<i32>} : memref<128x128xf32, #tpu.memory_space<vmem>>, vector<16xf32>,
      %mul3A_459 = arith.mulf %scan3A_425#7, %div3A_430 : vector<16xf32>
      %swap3A_460 = arith.index_cast %add3A_256 : i32 to index
      %swap3A_461 = arith.constant 112 : index
      %swap3A_462 = tpu.vector_load %arg7[%swap3A_460, %swap3A_461] {strides = array<i32>} : memref<128x128xf32, #tpu.memory_space<vmem>>, vector<16xf32>,
      tpu.vector_store %arg7[%swap3A_460, %swap3A_461], %mul3A_459 {strides = array<i32>} : memref<128x128xf32, #tpu.memory_space<vmem>>, vector<16xf32>,
    }
    %scan3A_54 = arith.constant 64 : i32
    "tpu.region"() ({
      %run_scoped3A = tpu.sem_alloc : memref<!tpu.dma_semaphore, #tpu.memory_space<semaphore_mem>>
      %dma_start3A_55 = arith.constant 0 : i32
      %dma_start3A_56 = tpu.memref_slice %arg4[%mul3A_2, %dma_start3A_55] : memref<4096x128xf32, #tpu.memory_space<hbm>> -> memref<128x128xf32, #tpu.memory_space<hbm>>
      %dma_start3A_57 = arith.constant 0 : i32
      %dma_start3A_58 = tpu.memref_slice %arg4[%mul3A_2, %dma_start3A_57] : memref<4096x128xf32, #tpu.memory_space<hbm>> -> memref<128x128xf32, #tpu.memory_space<hbm>>
      tpu.enqueue_dma source(%arg7 : memref<128x128xf32, #tpu.memory_space<vmem>>) target(%dma_start3A_58 : memref<128x128xf32, #tpu.memory_space<hbm>>) target_semaphore(%run_scoped3A : memref<!tpu.dma_semaphore, #tpu.memory_space<semaphore_mem>>)
      %dma_wait3A = arith.constant 0 : i32
      %dma_wait3A_59 = tpu.memref_slice %arg4[%mul3A_2, %dma_wait3A] : memref<4096x128xf32, #tpu.memory_space<hbm>> -> memref<128x128xf32, #tpu.memory_space<hbm>>
      %dma_wait3A_60 = arith.constant 0 : i32
      %dma_wait3A_61 = tpu.memref_slice %arg4[%mul3A_2, %dma_wait3A_60] : memref<4096x128xf32, #tpu.memory_space<hbm>> -> memref<128x128xf32, #tpu.memory_space<hbm>>
      tpu.wait_dma2 semaphore(%run_scoped3A : memref<!tpu.dma_semaphore, #tpu.memory_space<semaphore_mem>>) src(%arg7 : memref<128x128xf32, #tpu.memory_space<vmem>>) dst(%dma_wait3A_61 : memref<128x128xf32, #tpu.memory_space<hbm>>)
      tpu.yield
    }) : () -> ()
    return
  }
}

</mosaic_0001>

<sc_bundles>
// kernel: kernel.3.cloned.1.call-start
scs
__scs_entry_jumppad:
0x0: {  	(pc) =	sbr.rel $0x88, $3  }
0x1: {  	(tag) =	ssettag $0x0;
	lr =	simm.s32 $0x1  }
0x2: {  	[smem:$0x3F9F] =	sst lr;
	_ =	strace $0xD0000000  }
0x3: {  	_ = 	snop  }
0x4: {  	_ = 	snop  }
0x5: {  	_ = 	snop  }
0x6: {  	_ = 	snop  }
0x7: {  	_ = 	snop  }
__scs_overlays_trampoline_lowered:
0x8: {  	[smem:$0x3FAE] =	sst s0  }
0x9: {  	[smem:$0x3FAF] =	sst s1  }
0xa: {  	[smem:$0x3FB0] =	sst s2  }
0xb: {  	[smem:$0x3FB1] =	sst s3  }
0xc: {  	[smem:$0x3FB2] =	sst s4  }
0xd: {  	[smem:$0x3FB3] =	sst s5  }
0xe: {  	[smem:$0x3FB4] =	sst s6  }
0xf: {  	[smem:$0x3FB5] =	sst s7  }
0x10: {  	[smem:$0x3FB6] =	sst s8  }
0x11: {  	[smem:$0x3FB7] =	sst s9;
	s0 =	simm.s32 @!p0 $0x0  }
0x12: {  	s1 =	sld [smem:$0x3F9D];
	s0 =	simm.s32 @p0 $0x1  }
0x13: {  	[smem:$0x3FB8] =	sst s0;
	s0 =	simm.s32 @!p1 $0x0  }
0x14: {  	s2 =	sld [smem:$0x3F9C];
	s0 =	simm.s32 @p1 $0x1  }
0x15: {  	[smem:$0x3FB9] =	sst s0;
	s0 =	simm.s32 @!p2 $0x0  }
0x16: {  	s3 =	sld [smem:$0x3FDB];
	s0 =	simm.s32 @p2 $0x1  }
0x17: {  	s4 =	simm.s32 $0x1BF5;
	[smem:$0x3FBB] =	sst s0  }
0x18: {  	s0 =	sld [smem:$0x3F9E];
	_ =	swait.ge [sflag:s4], $0x0  }
0x19: {  	s7 =	sld [smem:$0x3F9F]  }
0x1a: {  	s8 =	sadd.s32 $0xFFFFE003, lr  }
0x1b: {  	s9 =	sadd.s32 $0xFFFFFEF7, lr;
	s5 =	simm.s32 $0xFFFFFFFF;
	p2 =	slt.u32 s8, $0xFFFFF086  }
0x1c: {  	p1 =	slt.u32 s9, $0xF7A;
	s5 =	simm.s32 @!p2 $0x0  }
0x1d: {  	s5 =	simm.s32 @p1 $0x1;
	p0 =	seq.s32 s7, s2  }
0x1e: {  	s7 =	smul.u32 @!p0 $0xF7A, s2;
	p2 =	seq.s32 @!p0 s5, $0x0  }
0x1f: {  	s9 =	smul.u32 $0xF7A, s1;
	s8 =	simm.s32 @!p0 $0x1BF5;
	p2 =	por !p2, p0  }
0x20: {  	[sflag:s8] =	ssyncset.s32 @!p0 $0xFFFFF086;
	s6 =	sadd.s32 @!p0 s3, s7;
	s7 =	simm.s32 @!p0 $0x108  }
0x21: {  	s3 =	sadd.s32 s3, s9;
	s6 =	sadd.s32 @!p0 $0x88, s6;
	s7 =	simm.s32 @p2 $0x1082  }
0x22: {  	[simem:s7], [sflag:s8] =	dma.local @!p0 [hbm:s6], $0xF7A  }
0x23: {  	s9 =	sor.u32 $0xD0000000, s2;
	s6 =	simm.s32 $0x108;
	_ =	swait.ge @!p0 [sflag:s8], $0x0  }
0x24: {  	s3 =	sadd.s32 $0x88, s3;
	s6 =	simm.s32 @!p1 $0x1082;
	[sflag:s4] =	ssyncset.s32 $0xFFFFF086  }
0x25: {  	[simem:s6], [sflag:s4] =	dma.local [hbm:s3], $0xF7A  }
0x26: {  	[smem:$0x3F9F] =	sst s1;
	(tag) =	ssettag s2;
	_ =	strace s9  }
0x27: {  	s1 =	sld [smem:$0x3FAF]  }
0x28: {  	s2 =	sld [smem:$0x3FB0]  }
0x29: {  	s4 =	sld [smem:$0x3FB2]  }
0x2a: {  	p0 =	seq.s32 s5, $0x0;
	s5 =	sld [smem:$0x3FB3]  }
0x2b: {  	s6 =	sld [smem:$0x3FB4]  }
0x2c: {  	s7 =	sld [smem:$0x3FB5]  }
0x2d: {  	s3 =	simm.s32 $0x108;
	s8 =	sld [smem:$0x3FB6]  }
0x2e: {  	s3 =	simm.s32 @!p0 $0x1082;
	s9 =	sld [smem:$0x3FB7]  }
0x2f: {  	lr =	sadd.s32 s0, s3;
	s0 =	sld [smem:$0x3FAE]  }
0x30: {  	s3 =	sld [smem:$0x3FB1]  }
0x31: {  	[smem:$0x3FBA] =	sst s10  }
0x32: {  	s10 =	sld [smem:$0x3FB8];
	_ =	sdelay $0x3  }
0x33: {  	p0 =	seq.s32 s10, $0x1;
	s10 =	sld [smem:$0x3FBA];
	_ =	sdelay $0x3  }
0x34: {  	[smem:$0x3FBA] =	sst s10  }
0x35: {  	s10 =	sld [smem:$0x3FB9];
	_ =	sdelay $0x3  }
0x36: {  	p1 =	seq.s32 s10, $0x1;
	s10 =	sld [smem:$0x3FBA];
	_ =	sdelay $0x3  }
0x37: {  	[smem:$0x3FBA] =	sst s10  }
0x38: {  	s10 =	sld [smem:$0x3FBB]  }
0x39: {  	_ = 	snop;
	(pc) =	sbr.ind lr, $3  }
0x3a: {  	_ = 	snop  }
0x3b: {  	_ = 	snop  }
0x3c: {  	p2 =	seq.s32 s10, $0x1;
	s10 =	sld [smem:$0x3FBA]  }
0x3d: {  	_ =	shalt  }
0x3e: {  	_ =	shalt  }
0x3f: {  	_ =	shalt  }
0x40: {  	_ =	shalt  }
0x41: {  	_ =	shalt  }
0x42: {  	_ =	shalt  }
0x43: {  	_ =	shalt  }
0x44: {  	_ =	shalt  }
0x45: {  	_ =	shalt  }
0x46: {  	_ =	shalt  }
0x47: {  	_ =	shalt  }
0x48: {  	_ =	shalt  }
0x49: {  	_ =	shalt  }
0x4a: {  	_ =	shalt  }
0x4b: {  	_ =	shalt  }
0x4c: {  	_ =	shalt  }
0x4d: {  	_ =	shalt  }
0x4e: {  	_ =	shalt  }
0x4f: {  	_ =	shalt  }
0x50: {  	_ =	shalt  }
0x51: {  	_ =	shalt  }
0x52: {  	_ =	shalt  }
0x53: {  	_ =	shalt  }
0x54: {  	_ =	shalt  }
0x55: {  	_ =	shalt  }
0x56: {  	_ =	shalt  }
0x57: {  	_ =	shalt  }
0x58: {  	_ =	shalt  }
0x59: {  	_ =	shalt  }
0x5a: {  	_ =	shalt  }
0x5b: {  	_ =	shalt  }
0x5c: {  	_ =	shalt  }
0x5d: {  	_ =	shalt  }
0x5e: {  	_ =	shalt  }
0x5f: {  	_ =	shalt  }
0x60: {  	_ =	shalt  }
0x61: {  	_ =	shalt  }
0x62: {  	_ =	shalt  }
0x63: {  	_ =	shalt  }
0x64: {  	_ =	shalt  }
0x65: {  	_ =	shalt  }
0x66: {  	_ =	shalt  }
0x67: {  	_ =	shalt  }
0x68: {  	_ =	shalt  }
0x69: {  	_ =	shalt  }
0x6a: {  	_ =	shalt  }
0x6b: {  	_ =	shalt  }
0x6c: {  	_ =	shalt  }
0x6d: {  	_ =	shalt  }
0x6e: {  	_ =	shalt  }
0x6f: {  	_ =	shalt  }
0x70: {  	_ =	shalt  }
0x71: {  	_ =	shalt  }
0x72: {  	_ =	shalt  }
0x73: {  	_ =	shalt  }
0x74: {  	_ =	shalt  }
0x75: {  	_ =	shalt  }
0x76: {  	_ =	shalt  }
0x77: {  	_ =	shalt  }
0x78: {  	_ =	shalt  }
0x79: {  	_ =	shalt  }
0x7a: {  	_ =	shalt  }
0x7b: {  	_ =	shalt  }
0x7c: {  	_ =	shalt  }
0x7d: {  	_ =	shalt  }
0x7e: {  	_ =	shalt  }
0x7f: {  	_ =	shalt  }
0x80: {  	_ =	shalt  }
0x81: {  	_ =	shalt  }
0x82: {  	_ =	shalt  }
0x83: {  	_ =	shalt  }
0x84: {  	_ =	shalt  }
0x85: {  	_ =	shalt  }
0x86: {  	_ =	shalt  }
0x87: {  	_ =	shalt  }
.Lfunc_end0:
.L_simem_size_0:
called_computation_lowered:
.L_overlay_start_0:
0x88: {  	s2 =	sld [smem:$0x3FD9]  }
0x89: {  	s3 =	sld [smem:$0x3FFE];
	_ =	sdelay $0x1  }
0x8a: {  	s1 =	srdreg.scid  }
0x8b: {  	s0 =	sand.u32 $0x1, s1  }
0x8c: {  	s17 =	sshll.u32 s0, $0xA;
	s2 =	sadd.s32 s3, s2  }
0x8d: {  	s2 =	sadd.s32 s2, s17  }
0x8e: {  	[smem:$0x3FC6] =	sst s2  }
0x8f: {  	_ = 	snop  }
0x90: {  	s2 =	sld [smem:$0x3FC8]  }
0x91: {  	s18 =	sld [smem:$0x3FD0];
	(tm) =	ssettm $0x1  }
0x92: {  	s4 =	sld [smem:$0x3FFB];
	_ =	sdelay $0x3  }
0x93: {  	_ =	strace s4  }
0x94: {  	s4 =	sld [smem:$0x3FFC];
	_ =	sdelay $0x3  }
0x95: {  	_ =	strace s4  }
0x96: {  	s4 =	sld [smem:$0x3FFD];
	_ =	sdelay $0x3  }
0x97: {  	_ =	strace s4  }
0x98: {  	_ =	strace $0x8FFFFFFF  }
0x99: {  	s19 =	sld [smem:$0x3FDB];
	_ =	sdelay $0x1  }
0x9a: {  	s5 =	simm.s32 $_scs_section_size  }
0x9b: {  	s6 =	simm.s32 $_size__tile_overlayer_lowered;
	s7 =	simm.s32 $_tile_overlayer_lowered  }
0x9c: {  	s22 =	simm.s32 $0x1BFF;
	s21 =	sshll.u32 s7, $0x1;
	s4 =	sadd.s32 s5, s19  }
0x9d: {  	s8 =	simm.s32 $0x0;
	s20 =	sshll.u32 s6, $0x1;
	s6 =	sadd.s32 s21, s4  }
0x9e: {  	[timem:s8], [sflag:s22] =	dma.local [hbm:s6], s20  }
0x9f: {  	_ =	swait.ge [sflag:s22], s20  }
0xa0: {  	s5 =	ssub.s32 $0x0, s20;
	[sflag:s22] =	ssyncset.done $0x0  }
0xa1: {  	[sflag:s22] =	ssyncadd.s32 s5;
	_ =	sdelay $0x1  }
0xa2: {  	s23 =	simm.s32 $0x1B8B  }
0xa3: {  	_ =	swait.ge [sflag:s23], $0x1  }
0xa4: {  	[sflag:s23] =	ssyncset.done $0x0  }
0xa5: {  	s25 =	simm.s32 $0x1B8E;
	s24 =	sld [smem:$0x3FFE];
	[sflag:s23] =	ssyncadd.s32 $0xFFFFFFFF  }
0xa6: {  	s26 =	simm.s32 $execute0_lowered;
	[smem:$0x3FD2] =	sst s25  }
0xa7: {  	s6 =	sshll.u32 s26, $0x1;
	_ =	strace $0x80000046;
	[dreg:$0x1] =	wrdreg $0xFFFFFFFF  }
0xa8: {  	s28 =	simm.s32 $_size_execute0_lowered;
	s4 =	sadd.s32 s4, s6;
	[dreg:$0x0] =	wrdreg $0x0  }
0xa9: {  	s6 =	sshll.u32 s28, $0x1;
	[dreg:$0x2] =	wrdreg s4  }
0xaa: {  	[dreg:$0x3] =	wrdreg s6  }
0xab: {  	[dreg:$0x4] =	wrdreg $0xC0  }
0xac: {  	_ =	task [dreg:s8], $0x5FFFF  }
0xad: {  	[dreg:$0x1] =	wrdreg $0xFFFFFFFF  }
0xae: {  	[dreg:$0x0] =	wrdreg $0x60  }
0xaf: {  	[dreg:$0x2] =	wrdreg s24  }
0xb0: {  	[dreg:$0x3] =	wrdreg s2  }
0xb1: {  	[dreg:$0x4] =	wrdreg s18  }
0xb2: {  	[dreg:$0x5] =	wrdreg $0x9  }
0xb3: {  	_ =	task.clear_ibuf [dreg:s8], $0x6FFFF;
	_ =	strace $0x90000046  }
0xb4: {  	s29 =	simm.s32 $0x9;
	_ =	strace $0x80000048  }
0xb5: {  	_ =	swait.ge [sflag:s29], $0x1  }
0xb6: {  	[sflag:s29] =	ssyncadd.s32 $0xFFFFFFFF  }
0xb7: {  	_ =	strace $0x90000048  }
0xb8: {  	_ =	sfence  }
0xb9: {  	s30 =	sld [smem:$0x0];
	_ =	sdelay $0x2  }
0xba: {  	s31 =	sshll.u32 s1, $0xD;
	s1 =	sshrl.u32 s1, $0x2  }
0xbb: {  	s3 =	sand.u32 $0x4000, s31;
	s1 =	sadd.s32 s1, s30  }
0xbc: {  	s0 =	sor.u32 s3, s0;
	s1 =	sshll.u32 s1, $0x11  }
0xbd: {  	s0 =	sor.u32 s1, s0  }
0xbe: {  	s0 =	sadd.s32 $0x8F2B, s0  }
0xbf: {  	[sflag:s0] =	ssyncadd.remote.s32 $0x1  }
0xc0: {  	_ =	sfence.sel $0xFFFF  }
0xc1: {  	[dreg:$0x0] =	wrdreg $0xFFFFFFFF;
	(pc) =	sbr.abs _section_cstart, $3  }
0xc2: {  	[dreg:$0x1] =	wrdreg $0xFFFFFFFF  }
0xc3: {  	_ =	task.clear_ibuf [dreg:s8], $0x2FFFF;
	_ =	strace $0x9FFFFFFF  }
0xc4: {  	(tm) =	ssettm $0x7FFFFFFF  }
0xc5: {  	_ =	shalt  }
tec
execute0_lowered:
.L_overlay_start_1:
0x0: {  	(tag) =	ssettag $0x1  }
0x1: {  	s4 =	rddreg [dreg:$0x0]  }
0x2: {  	s2 =	rddreg [dreg:$0x1]  }
0x3: {  	s5 =	rddreg [dreg:$0x2];
	s3 =	srdreg.scid  }
0x4: {  	s0 =	rddreg [dreg:$0x3];
	s1 =	stileid.u32  }
0x5: {  	s9 =	simm.s32 $0x8000;
	s10 =	simm.s32 $0xA000;
	s11 =	simm.s32 $0x400  }
0x6: {  	s12 =	simm.s32 $0xC000;
	s13 =	simm.s32 $0x8;
	s14 =	simm.s32 $0x440  }
0x7: {  	s15 =	simm.s32 $0xE000;
	s16 =	simm.s32 $0xE400;
	s17 =	simm.s32 $0x10400  }
0x8: {  	s18 =	simm.s32 $0x12400;
	s19 =	simm.s32 $0x14400;
	s20 =	simm.s32 $0x1  }
0x9: {  	s21 =	simm.s32 $0x2;
	s22 =	simm.s32 $0x14800;
	s23 =	simm.s32 $0x0  }
0xa: {  	s6 =	sand.u32 $0x1, s3;
	s3 =	simm.s32 $0x0;
	s7 =	sshll.u32 s1, $0x8  }
0xb: {  	s8 =	sshll.u32 s6, $0x7;
	[smem:$0x7FF] =	sst s3;
	s6 =	ssub.s32 $0x2, s6  }
0xc: {  	s7 =	sor.u32 s8, s7;
	_ =	strace $0x80000047;
	s31 =	sshrl.u32 s6, $0x1  }
0xd: {  	s8 =	sshll.u32 s7, $0x5;
	s7 =	sshll.u32 s7, $0x4;
	s6 =	ssub.s32 s6, s31  }
0xe: {  	s4 =	sadd.s32 s8, s4;
	s5 =	sadd.s32 s5, s7;
	s6 =	smax.u32 s6, $0x1  }
0xf: {  	vm0 =	vcmask $0x3F20;
	s7 =	simm.s32 $0x3;
	s8 =	simm.s32 $0x40;
	s4 =	sadd.s32 $0x400, s4  }
.LBB2_1:
0x10: {  	[tilespmem:s3], [sflag:$0x3] =	stream.linear.gather [hbm4b:s4+s3], $0x8000, $0x38;
	[tilespmem:$0x18800] =	vst v63  }
0x11: {  	_ =	swait.ge [sflag:s7], $0x8000  }
0x12: {  	[sflag:s7] =	ssyncset.done $0x0  }
0x13: {  	[sflag:s7] =	ssyncadd.s32 $0xFFFF8000  }
0x14: {  	[tilespmem:s9], [sflag:$0x1] =	stream.indirect.gather [hbm4b:s2+s8], $0x80, s3, s8, $0xb8;
	[tilespmem:$0x18800] =	vst v63  }
0x15: {  	_ = 	snop  }
0x16: {  	[tilespmem:s10], [sflag:$0x1] =	stream.indirect.gather [hbm4b:s2+s8], $0x80, s8, s8, $0xb8;
	[tilespmem:$0x18800] =	vst v63  }
0x17: {  	_ = 	snop  }
0x18: {  	[tilespmem:s12], [sflag:$0x1] =	stream.indirect.gather [hbm4b:s2+s8], $0x80, s11, s8, $0xb8;
	[tilespmem:$0x18800] =	vst v63  }
0x19: {  	s24 =	simm.s32 $0x0  }
0x1a: {  	[tilespmem:s15], [sflag:$0x1] =	stream.indirect.gather [hbm4b:s2+s13], $0x80, s14, s13, $0xb8;
	[tilespmem:$0x18800] =	vst v63  }
.LBB2_2:
0x1b: {  	s28 =	sshll.u32 s24, $0x8  }
0x1c: {  	s26 =	sshll.u32 s24, $0x9;
	s25 =	sor.u32 $0x80, s28  }
0x1d: {  	s29 =	sand.u32 $0x7800, s26;
	s26 =	sand.u32 $0x380, s25  }
0x1e: {  	s26 =	sor.u32 s26, s29  }
0x1f: {  	[tilespmem:s16], [sflag:$0x2] =	stream.indirect.gather [hbm4b:s2+s8], $0x80, s26, s8, $0xb8;
	[tilespmem:$0x18800] =	vst v63  }
0x20: {  	s30 =	sor.u32 $0x40, s26  }
0x21: {  	[tilespmem:s17], [sflag:$0x2] =	stream.indirect.gather [hbm4b:s2+s8], $0x80, s30, s8, $0xb8;
	[tilespmem:$0x18800] =	vst v63  }
0x22: {  	s30 =	sor.u32 $0x400, s26  }
0x23: {  	[tilespmem:s18], [sflag:$0x2] =	stream.indirect.gather [hbm4b:s2+s8], $0x80, s30, s8, $0xb8;
	[tilespmem:$0x18800] =	vst v63  }
0x24: {  	s30 =	sor.u32 $0x440, s26  }
0x25: {  	[tilespmem:s19], [sflag:$0x2] =	stream.indirect.gather [hbm4b:s2+s13], $0x80, s30, s13, $0xb8;
	[tilespmem:$0x18800] =	vst v63  }
0x26: {  	_ =	swait.ge [sflag:s20], $0x2000  }
0x27: {  	[sflag:s20] =	ssyncset.done $0x0  }
0x28: {  	[sflag:s20] =	ssyncadd.s32 $0xFFFFE000  }
0x29: {  	_ =	swait.ge [sflag:s20], $0x2000  }
0x2a: {  	[sflag:s20] =	ssyncset.done $0x0  }
0x2b: {  	[sflag:s20] =	ssyncadd.s32 $0xFFFFE000  }
0x2c: {  	_ =	swait.ge [sflag:s20], $0x2000  }
0x2d: {  	[sflag:s20] =	ssyncset.done $0x0  }
0x2e: {  	[sflag:s20] =	ssyncadd.s32 $0xFFFFE000  }
0x2f: {  	_ =	swait.ge [sflag:s20], $0x400  }
0x30: {  	s30 =	sand.u32 $0x300, s28;
	[sflag:s20] =	ssyncset.done $0x0  }
0x31: {  	s29 =	sor.u32 s30, s29;
	[sflag:s20] =	ssyncadd.s32 $0xFFFFFC00  }
0x32: {  	v0 =	vld [tilespmem:s29+$0x0]  }
0x33: {  	v1 =	vld [tilespmem:s29+$0x10]  }
0x34: {  	v2 =	vld [tilespmem:s29+$0x20]  }
0x35: {  	v3 =	vld [tilespmem:s29+$0x30]  }
0x36: {  	v4 =	vld [tilespmem:s29+$0x40]  }
0x37: {  	v5 =	vld [tilespmem:s29+$0x50]  }
0x38: {  	vm1 =	vne.s32 v0, $0x0;
	vm2 =	vne.s32 v1, $0x0;
	v0 =	vld [tilespmem:s29+$0x60]  }
0x39: {  	v1 =	vmpcnt.ones.xlane vm1;
	v6 =	vmpcnt.ones.xlane vm2;
	vm1 =	vne.s32 v2, $0x0;
	v2 =	vld [tilespmem:s29+$0x70]  }
0x3a: {  	v7 =	vmpcnt.ones.xlane vm1;
	vm1 =	vne.s32 v3, $0x0;
	v3 =	vld [tilespmem:s29+$0x400]  }
0x3b: {  	v1 =	vadd.s32 v1, v6;
	v6 =	vmpcnt.ones.xlane vm1;
	vm1 =	vne.s32 v4, $0x0;
	v4 =	vld [tilespmem:s29+$0x410]  }
0x3c: {  	v1 =	vadd.s32 v7, v1;
	v7 =	vmpcnt.ones.xlane vm1;
	vm1 =	vne.s32 v5, $0x0;
	v5 =	vld [tilespmem:s29+$0x420]  }
0x3d: {  	v1 =	vadd.s32 v6, v1;
	v6 =	vmpcnt.ones.xlane vm1;
	vm1 =	vne.s32 v0, $0x0;
	v0 =	vld [tilespmem:s29+$0x430]  }
0x3e: {  	v1 =	vadd.s32 v7, v1;
	v7 =	vmpcnt.ones.xlane vm1;
	vm1 =	vne.s32 v2, $0x0;
	v2 =	vld [tilespmem:s29+$0x438]  }
0x3f: {  	v1 =	vadd.s32 v6, v1;
	v6 =	vmpcnt.ones.xlane vm1;
	vm1 =	vne.s32 v3, $0x0  }
0x40: {  	v1 =	vadd.s32 v7, v1;
	v3 =	vmpcnt.ones.xlane vm1  }
0x41: {  	s29 =	simm.s32 $0x8040;
	vm1 =	vne.s32 v4, $0x0;
	v1 =	vadd.s32 v6, v1  }
0x42: {  	v7 =	vld [tilespmem:s29+$0xFFFFFFE0];
	v1 =	vadd.s32 v3, v1;
	v3 =	vmpcnt.ones.xlane vm1;
	vm1 =	vne.s32 v5, $0x0  }
0x43: {  	v4 =	vmpcnt.ones.xlane vm1;
	vm1 =	vne.s32 v0, $0x0;
	vm2 =	vne.s32 v2, $0x0;
	v0 =	vld [tilespmem:s29+$0x30]  }
0x44: {  	v2 =	vmpcnt.ones.xlane vm1;
	v1 =	vadd.s32 v3, v1;
	vm1 =	vmand vm2, vm0;
	v3 =	vld [tilespmem:s29+$0xFFFFFFC0]  }
0x45: {  	v6 =	vld [tilespmem:s29+$0xFFFFFFD0];
	v1 =	vadd.s32 v4, v1;
	v4 =	vmpcnt.ones.xlane vm1  }
0x46: {  	s30 =	simm.s32 $0x0;
	v1 =	vadd.s32 v2, v1  }
0x47: {  	v8 =	vimm.f32 $0.0e+00;
	v10 =	vld [tilespmem:s29+$0xFFFFFFF0];
	v4 =	vadd.s32 v4, v1;
	v1 =	vmov s30  }
0x48: {  	v9 =	vimm.f32 $0.0e+00;
	v11 =	vld [tilespmem:s29+$0x0];
	v5 =	vimm.f32 $0.0e+00;
	vm1 =	vlt.s32 v1, v4  }
0x49: {  	v13 =	vld [tilespmem:s29+$0x10];
	v0 =	vnsel vm1, $0x0, v0;
	v1 =	vnsel vm1, $0x0, v3;
	v14 =	vnsel vm1, $0x0, v7  }
0x4a: {  	v12 =	vld [tilespmem:s29+$0x20];
	s29 =	simm.s32 $0x80C0;
	v7 =	vimm.f32 $0.0e+00;
	v2 =	vadd.f32 v1, v5;
	v1 =	vnsel vm1, $0x0, v6  }
0x4b: {  	s31 =	simm.s32 $0x2;
	s30 =	simm.s32 $0x1;
	v0 =	vadd.f32 v0, v5;
	v6 =	vimm.f32 $0.0e+00;
	v3 =	vadd.f32 v1, v5;
	v1 =	vld [tilespmem:s29+$0x30]  }
.LBB2_3:
0x4c: {  	p0 =	sne.s32 s31, $0xC7;
	v15 =	vld [tilespmem:s29+$0xFFFFFFC0];
	v5 =	vadd.f32 v14, v5;
	v10 =	vnsel vm1, $0x0, v10  }
0x4d: {  	v14 =	vld [tilespmem:s29+$0xFFFFFFD0];
	v7 =	vadd.f32 v10, v7;
	v10 =	vnsel vm1, $0x0, v11  }
0x4e: {  	v11 =	vmov s30;
	s30 =	smov.u32 s31;
	v16 =	vld [tilespmem:s29+$0xFFFFFFE0];
	v8 =	vadd.f32 v10, v8;
	v13 =	vnsel vm1, $0x0, v13  }
.Ltmp0:
0x4f: {  	v10 =	vld [tilespmem:s29+$0xFFFFFFF0];
	v9 =	vadd.f32 v13, v9;
	v12 =	vnsel vm1, $0x0, v12;
	vm1 =	vlt.s32 v11, v4;
	(pc) =	sbr.rel @p0 .LBB2_3-.Ltmp0, $4  }
0x50: {  	v11 =	vld [tilespmem:s29+$0x0];
	v1 =	vnsel vm1, $0x0, v1;
	v6 =	vadd.f32 v12, v6  }
0x51: {  	v12 =	vnsel vm1, $0x0, v15;
	v13 =	vld [tilespmem:s29+$0x10];
	v0 =	vadd.f32 v1, v0  }
0x52: {  	v2 =	vadd.f32 v12, v2;
	v14 =	vnsel vm1, $0x0, v14;
	v12 =	vld [tilespmem:s29+$0x20];
	s29 =	sadd.s32 $0x80, s29  }
0x53: {  	s31 =	sadd.s32 $0x1, s31;
	v1 =	vld [tilespmem:s29+$0x30];
	v3 =	vadd.f32 v14, v3;
	v14 =	vnsel vm1, $0x0, v16  }
0x54: {  	v15 =	vcvt.s32.f32 v4;
	_ =	sdelay $0x1  }
0x55: {  	(erf) = vrcp.f32 v15;
	_ =	sdelay $0x1  }
0x56: {  	v15 =	vld [tilespmem:s29+$0xFFFFFFC0]  }
0x57: {  	v16 =	vld [tilespmem:s29+$0xFFFFFFD0];
	v17 =	vmov s30  }
0x58: {  	vm2 =	vlt.s32 v17, v4;
	v4 =	vadd.f32 v14, v5;
	v5 =	vnsel vm1, $0x0, v10  }
0x59: {  	v18 =	vld [tilespmem:s29+$0xFFFFFFE0];
	v5 =	vadd.f32 v5, v7  }
0x5a: {  	v10 =	vld [tilespmem:s29+$0xFFFFFFF0];
	v7 =	vnsel vm1, $0x0, v11;
	v11 =	vnsel vm1, $0x0, v13;
	v12 =	vnsel vm1, $0x0, v12  }
0x5b: {  	v13 =	vld [tilespmem:s29+$0x0];
	v7 =	vadd.f32 v7, v8;
	v8 =	vadd.f32 v11, v9;
	v9 =	vnsel vm2, $0x0, v15  }
0x5c: {  	v11 =	vld [tilespmem:s29+$0x10];
	v2 =	vadd.f32 v9, v2;
	v9 =	vnsel vm2, $0x0, v16  }
0x5d: {  	v14 =	vld [tilespmem:s29+$0x20];
	v6 =	vadd.f32 v12, v6;
	v1 =	vnsel vm2, $0x0, v1;
	v3 =	vadd.f32 v9, v3;
	v12 =	vpop (erf)  }
0x5e: {  	v0 =	vadd.f32 v1, v0;
	v9 =	vnsel vm2, $0x0, v18;
	v2 =	vmul.f32 v2, v12  }
0x5f: {  	v4 =	vadd.f32 v9, v4;
	v9 =	vnsel vm2, $0x0, v10;
	v3 =	vmul.f32 v3, v12  }
0x60: {  	v5 =	vadd.f32 v9, v5;
	v9 =	vnsel vm2, $0x0, v13;
	v0 =	vmul.f32 v0, v12;
	[tilespmem:s28+$0x14800] =	vst v2  }
0x61: {  	v7 =	vadd.f32 v9, v7;
	v9 =	vnsel vm2, $0x0, v11;
	v2 =	vmul.f32 v4, v12;
	[tilespmem:s28+$0x14810] =	vst v3  }
0x62: {  	p0 =	seq.s32 s24, $0x3F;
	v4 =	vadd.f32 v9, v8;
	v8 =	vnsel vm2, $0x0, v14;
	v3 =	vmul.f32 v5, v12;
	[tilespmem:s28+$0x14870] =	vst v0  }
0x63: {  	s29 =	sshll.u32 @!p0 s24, $0x1;
	v5 =	vadd.f32 v8, v6;
	[tilespmem:s28+$0x14820] =	vst v2;
	v2 =	vmul.f32 v7, v12  }
0x64: {  	s29 =	sadd.s32 @!p0 $0x2, s29;
	[tilespmem:s28+$0x14830] =	vst v3;
	v1 =	vmul.f32 v4, v12  }
0x65: {  	s30 =	sshll.u32 @!p0 s29, $0x8;
	s29 =	sshll.u32 @!p0 s29, $0x7;
	[tilespmem:s28+$0x14840] =	vst v2;
	v2 =	vmul.f32 v5, v12  }
0x66: {  	s30 =	sand.u32 @!p0 $0xF800, s30;
	s29 =	sand.u32 @!p0 $0x300, s29;
	[tilespmem:s28+$0x14850] =	vst v1  }
0x67: {  	[tilespmem:s28+$0x14860] =	vst v2;
	s28 =	sor.u32 @!p0 s29, s30;
	s29 =	simm.s32 @!p0 $0x40;
	s30 =	simm.s32 @!p0 $0x8000  }
0x68: {  	[tilespmem:s30], [sflag:$0x1] =	stream.indirect.gather @!p0 [hbm4b:s2+s29], $0x80, s28, s29, $0xb8;
	[tilespmem:$0x18800] =	vst v63  }
0x69: {  	s31 =	simm.s32 @!p0 $0xA000;
	s30 =	sor.u32 @!p0 $0x40, s28  }
0x6a: {  	[tilespmem:s31], [sflag:$0x1] =	stream.indirect.gather @!p0 [hbm4b:s2+s29], $0x80, s30, s29, $0xb8;
	[tilespmem:$0x18800] =	vst v63  }
0x6b: {  	s30 =	sor.u32 @!p0 $0x400, s28;
	s31 =	simm.s32 @!p0 $0xC000  }
0x6c: {  	[tilespmem:s31], [sflag:$0x1] =	stream.indirect.gather @!p0 [hbm4b:s2+s29], $0x80, s30, s29, $0xb8;
	[tilespmem:$0x18800] =	vst v63  }
0x6d: {  	s28 =	sor.u32 @!p0 $0x440, s28;
	s29 =	simm.s32 @!p0 $0x8;
	s30 =	simm.s32 @!p0 $0xE000  }
0x6e: {  	[tilespmem:s30], [sflag:$0x1] =	stream.indirect.gather @!p0 [hbm4b:s2+s29], $0x80, s28, s29, $0xb8;
	[tilespmem:$0x18800] =	vst v63  }
0x6f: {  	_ =	swait.ge [sflag:s21], $0x2000  }
0x70: {  	[sflag:s21] =	ssyncset.done $0x0  }
0x71: {  	[sflag:s21] =	ssyncadd.s32 $0xFFFFE000  }
0x72: {  	_ =	swait.ge [sflag:s21], $0x2000  }
0x73: {  	[sflag:s21] =	ssyncset.done $0x0  }
0x74: {  	[sflag:s21] =	ssyncadd.s32 $0xFFFFE000  }
0x75: {  	_ =	swait.ge [sflag:s21], $0x2000  }
0x76: {  	[sflag:s21] =	ssyncset.done $0x0  }
0x77: {  	[sflag:s21] =	ssyncadd.s32 $0xFFFFE000  }
0x78: {  	_ =	swait.ge [sflag:s21], $0x400  }
0x79: {  	[sflag:s21] =	ssyncset.done $0x0  }
0x7a: {  	[sflag:s21] =	ssyncadd.s32 $0xFFFFFC00  }
0x7b: {  	v0 =	vld [tilespmem:s26+$0x0]  }
0x7c: {  	v1 =	vld [tilespmem:s26+$0x10]  }
0x7d: {  	v2 =	vld [tilespmem:s26+$0x20]  }
0x7e: {  	v3 =	vld [tilespmem:s26+$0x30]  }
0x7f: {  	v4 =	vld [tilespmem:s26+$0x40]  }
0x80: {  	v5 =	vld [tilespmem:s26+$0x50]  }
0x81: {  	vm1 =	vne.s32 v0, $0x0;
	vm2 =	vne.s32 v1, $0x0;
	v0 =	vld [tilespmem:s26+$0x60]  }
0x82: {  	v1 =	vmpcnt.ones.xlane vm1;
	v6 =	vmpcnt.ones.xlane vm2;
	vm1 =	vne.s32 v2, $0x0;
	v2 =	vld [tilespmem:s26+$0x70]  }
0x83: {  	v7 =	vmpcnt.ones.xlane vm1;
	vm1 =	vne.s32 v3, $0x0;
	v3 =	vld [tilespmem:s26+$0x400]  }
0x84: {  	v1 =	vadd.s32 v1, v6;
	v6 =	vmpcnt.ones.xlane vm1;
	vm1 =	vne.s32 v4, $0x0;
	v4 =	vld [tilespmem:s26+$0x410]  }
0x85: {  	v1 =	vadd.s32 v7, v1;
	v7 =	vmpcnt.ones.xlane vm1;
	vm1 =	vne.s32 v5, $0x0;
	v5 =	vld [tilespmem:s26+$0x420]  }
0x86: {  	v1 =	vadd.s32 v6, v1;
	v6 =	vmpcnt.ones.xlane vm1;
	vm1 =	vne.s32 v0, $0x0;
	v0 =	vld [tilespmem:s26+$0x430]  }
0x87: {  	v1 =	vadd.s32 v7, v1;
	v7 =	vmpcnt.ones.xlane vm1;
	vm1 =	vne.s32 v2, $0x0;
	v2 =	vld [tilespmem:s26+$0x438]  }
0x88: {  	v1 =	vadd.s32 v6, v1;
	v6 =	vmpcnt.ones.xlane vm1;
	vm1 =	vne.s32 v3, $0x0  }
0x89: {  	v1 =	vadd.s32 v7, v1;
	v3 =	vmpcnt.ones.xlane vm1  }
0x8a: {  	vm1 =	vne.s32 v4, $0x0;
	v1 =	vadd.s32 v6, v1  }
0x8b: {  	s31 =	simm.s32 $0x0;
	v1 =	vadd.s32 v3, v1;
	v3 =	vmpcnt.ones.xlane vm1;
	vm1 =	vne.s32 v5, $0x0  }
0x8c: {  	v5 =	vld [tilespmem:s31+$0xE410];
	v4 =	vmpcnt.ones.xlane vm1;
	vm1 =	vne.s32 v0, $0x0;
	vm2 =	vne.s32 v2, $0x0  }
0x8d: {  	v0 =	vld [tilespmem:s31+$0xE470];
	v1 =	vadd.s32 v3, v1;
	v2 =	vmpcnt.ones.xlane vm1;
	vm1 =	vmand vm2, vm0  }
0x8e: {  	v3 =	vld [tilespmem:s31+$0xE400];
	v1 =	vadd.s32 v4, v1;
	v4 =	vmpcnt.ones.xlane vm1  }
0x8f: {  	s28 =	simm.s32 $0x0;
	v1 =	vadd.s32 v2, v1  }
0x90: {  	v10 =	vld [tilespmem:s31+$0xE420];
	v2 =	vmov s28;
	v1 =	vadd.s32 v4, v1  }
0x91: {  	v8 =	vimm.f32 $0.0e+00;
	v13 =	vld [tilespmem:s31+$0xE430];
	v7 =	vimm.f32 $0.0e+00;
	vm1 =	vlt.s32 v2, v1  }
0x92: {  	v9 =	vld [tilespmem:s31+$0xE440];
	v6 =	vimm.f32 $0.0e+00;
	v4 =	vimm.f32 $0.0e+00;
	v0 =	vnsel vm1, $0x0, v0  }
0x93: {  	v11 =	vld [tilespmem:s31+$0xE450];
	v2 =	vnsel vm1, $0x0, v3;
	v14 =	vnsel vm1, $0x0, v5;
	v5 =	vimm.f32 $0.0e+00  }
0x94: {  	s29 =	simm.s32 $0x400;
	v12 =	vld [tilespmem:s31+$0xE460];
	s26 =	simm.s32 $0x80;
	v3 =	vimm.f32 $0.0e+00;
	v0 =	vadd.f32 v0, v4;
	v2 =	vadd.f32 v2, v4  }
.LBB2_5:
0x95: {  	p0 =	sne.s32 s29, $0x18E00;
	v15 =	vld [tilespmem:s26+$0xE470];
	v4 =	vadd.f32 v14, v4;
	v10 =	vnsel vm1, $0x0, v10  }
0x96: {  	v14 =	vld [tilespmem:s26+$0xE400];
	v7 =	vadd.f32 v10, v7;
	v10 =	vnsel vm1, $0x0, v13  }
0x97: {  	s28 =	sadd.s32 $0x1, s28;
	v16 =	vld [tilespmem:s26+$0xE410];
	v8 =	vadd.f32 v10, v8;
	v9 =	vnsel vm1, $0x0, v9  }
.Ltmp1:
0x98: {  	v17 =	vmov s28;
	v10 =	vld [tilespmem:s26+$0xE420];
	v5 =	vadd.f32 v9, v5;
	v9 =	vnsel vm1, $0x0, v11;
	(pc) =	sbr.rel @p0 .LBB2_5-.Ltmp1, $4  }
0x99: {  	v13 =	vld [tilespmem:s26+$0xE430];
	v6 =	vadd.f32 v9, v6;
	v11 =	vnsel vm1, $0x0, v12;
	vm1 =	vlt.s32 v17, v1  }
0x9a: {  	v9 =	vld [tilespmem:s26+$0xE440];
	v12 =	vnsel vm1, $0x0, v15;
	v3 =	vadd.f32 v11, v3  }
0x9b: {  	v14 =	vnsel vm1, $0x0, v14;
	v11 =	vld [tilespmem:s26+$0xE450];
	v0 =	vadd.f32 v12, v0  }
0x9c: {  	v2 =	vadd.f32 v14, v2;
	v14 =	vnsel vm1, $0x0, v16;
	v12 =	vld [tilespmem:s26+$0xE460];
	s26 =	sshra.s32 s29, $0x2;
	s29 =	sadd.s32 $0x200, s29  }
0x9d: {  	v15 =	vcvt.s32.f32 v1;
	_ =	sdelay $0x1  }
0x9e: {  	(erf) = vrcp.f32 v15;
	_ =	sdelay $0x1  }
0x9f: {  	v43 =	vld [tilespmem:s26+$0xE400]  }
0xa0: {  	v16 =	vld [tilespmem:s26+$0xE410]  }
0xa1: {  	v4 =	vadd.f32 v14, v4;
	v10 =	vnsel vm1, $0x0, v10;
	s28 =	sadd.s32 $0x1, s28;
	v44 =	vld [tilespmem:s26+$0xE420];
	v13 =	vnsel vm1, $0x0, v13  }
0xa2: {  	v46 =	vld [tilespmem:s26+$0xE430];
	v7 =	vadd.f32 v10, v7;
	v45 =	vmov s28;
	v8 =	vadd.f32 v13, v8  }
0xa3: {  	v47 =	vld [tilespmem:s26+$0xE440];
	v9 =	vnsel vm1, $0x0, v9;
	vm2 =	vlt.s32 v45, v1;
	v11 =	vnsel vm1, $0x0, v11  }
0xa4: {  	v49 =	vld [tilespmem:s26+$0xE450];
	v5 =	vadd.f32 v9, v5;
	v6 =	vadd.f32 v11, v6;
	v48 =	vnsel vm2, $0x0, v43  }
0xa5: {  	v52 =	vld [tilespmem:s26+$0xE460];
	v50 =	vnsel vm1, $0x0, v12;
	v51 =	vnsel vm2, $0x0, v16;
	v2 =	vadd.f32 v48, v2  }
0xa6: {  	v53 =	vld [tilespmem:s26+$0xE470];
	v3 =	vadd.f32 v50, v3;
	v54 =	vnsel vm2, $0x0, v44;
	v4 =	vadd.f32 v51, v4;
	v55 =	vpop (erf)  }
0xa7: {  	v56 =	vnsel vm2, $0x0, v46;
	v7 =	vadd.f32 v54, v7;
	v2 =	vmul.f32 v2, v55  }
0xa8: {  	v1 =	vnsel vm2, $0x0, v47;
	v8 =	vadd.f32 v56, v8;
	v4 =	vmul.f32 v4, v55  }
0xa9: {  	v57 =	vnsel vm2, $0x0, v49;
	v1 =	vadd.f32 v1, v5;
	v58 =	vmul.f32 v7, v55;
	[tilespmem:s25+$0x14800] =	vst v2  }
0xaa: {  	s24 =	sadd.s32 $0x1, s24;
	v59 =	vnsel vm2, $0x0, v52;
	v5 =	vadd.f32 v57, v6;
	v60 =	vmul.f32 v8, v55;
	[tilespmem:s25+$0x14810] =	vst v4  }
0xab: {  	p0 =	sne.s32 s24, $0x40;
	v61 =	vnsel vm2, $0x0, v53;
	v3 =	vadd.f32 v59, v3;
	v1 =	vmul.f32 v1, v55;
	[tilespmem:s25+$0x14820] =	vst v58  }
.Ltmp2:
0xac: {  	v0 =	vadd.f32 v61, v0;
	v62 =	vmul.f32 v5, v55;
	[tilespmem:s25+$0x14830] =	vst v60;
	(pc) =	sbr.rel @p0 .LBB2_2-.Ltmp2, $4  }
0xad: {  	v63 =	vmul.f32 v3, v55;
	[tilespmem:s25+$0x14840] =	vst v1  }
0xae: {  	v0 =	vmul.f32 v0, v55;
	[tilespmem:s25+$0x14850] =	vst v62  }
0xaf: {  	[tilespmem:s25+$0x14860] =	vst v63  }
0xb0: {  	[tilespmem:s25+$0x14870] =	vst v0  }
0xb1: {  	s23 =	sadd.s32 $0x1, s23  }
0xb2: {  	p0 =	sne.s32 s23, s6  }
.Ltmp3:
0xb3: {  	_ = 	snop;
	(pc) =	sbr.rel @p0 .LBB2_1-.Ltmp3, $4  }
0xb4: {  	[hbm4b:s5+s3] =	stream.linear.scatter [tilespmem:s22], [sflag:$0x3], $0x4000, $0x38;
	[tilespmem:$0x18800] =	vst v63  }
0xb5: {  	_ =	swait.ge [sflag:s7], $0x4000  }
0xb6: {  	[sflag:s7] =	ssyncset.done $0x0  }
0xb7: {  	[sflag:s7] =	ssyncadd.s32 $0xFFFFC000  }
0xb8: {  	_ =	sfence.sel $0x180000  }
0xb9: {  	[bflag:$0x0] =	sbarrier.arrive $0xFFFF  }
0xba: {  	p0 =	sne.s32 s1, $0x0;
	_ =	strace $0x90000047  }
0xbb: {  	s0 =	sadd.s32 @!p0 $0x100000, s0;
	[bflag:$0x2] =	sbarrier.arrive $0xFFFF  }
0xbc: {  	[sflag:s0] =	ssyncadd.tile.s32 @!p0 $0x1;
	_ =	shalt  }
.Lfunc_end2:
_tile_overlayer_lowered:
.L_overlay_start_2:
0xbd: {  	(tag) =	ssettag $0x2  }
0xbe: {  	s0 =	rddreg [dreg:$0x0];
	s2 =	stileid.u32  }
0xbf: {  	s1 =	rddreg [dreg:$0x1];
	p0 =	sne.s32 s2, $0x0  }
0xc0: {  	s3 =	rddreg [dreg:$0x2];
	[bflag:$0x3] =	sbarrier.arrive $0xFFFF;
	s2 =	simm.s32 @!p0 $0x1C03  }
0xc1: {  	[timem:s3], [sflag:s2] =	dma.local @!p0 [hbm:s0], s1  }
0xc2: {  	s0 =	simm.s32 @!p0 $0x3  }
0xc3: {  	_ =	swait.ge @!p0 [sflag:s0], s1  }
0xc4: {  	s1 =	ssub.s32 @!p0 $0x0, s1;
	[sflag:s0] =	ssyncset.done @!p0 $0x0  }
0xc5: {  	[sflag:s0] =	ssyncadd.s32 @!p0 s1  }
0xc6: {  	[bflag:$0x3] =	sbarrier.arrive $0xFFFF  }
0xc7: {  	_ =	shalt  }

</sc_bundles>
